<compile_context>
chip_gen: v7x
topology: tpu7x:2x2x1
jax: 0.10.2.dev20260603
libtpu: 0.0.44.dev20260713+nightly
codegen_flags: <defaults>
</compile_context>

<pallas_src>
import functools

import jax
import jax.numpy as jnp
from jax import lax
from jax.experimental import pallas as pl
from jax.experimental.pallas import tpu as pltpu
from jax.experimental.pallas import tpu_sc as plsc

TOK = 4096
EMBED = 1024
HE = 1024
E = 8
NMOE = 2048
GL_W = 128
BLK = 128
NSLOT = NMOE + E * BLK
NBLK = NSLOT // BLK
TB = 512
SB = 512
NC, NS = 2, 16
NW = NC * NS
F32 = jnp.float32
I32 = jnp.int32
HI = lax.Precision.HIGHEST


def _iotaf(shape, dim):
    return lax.broadcasted_iota(I32, shape, dim).astype(F32)


def _mm_t(a, b):
    return lax.dot_general(a, b, (((1,), (1,)), ((), ())),
                           preferred_element_type=F32)


def _swiglu_ln(xb, w1, b1, w2, b2, g, bb):
    x1 = _mm_t(xb, w1) + b1
    x2 = _mm_t(xb, w2) + b2
    hh = x1 * jax.nn.sigmoid(x1) * x2
    m = jnp.mean(hh, axis=-1, keepdims=True)
    v = jnp.mean((hh - m) ** 2, axis=-1, keepdims=True)
    return (hh - m) / jnp.sqrt(v + 1e-5) * g + bb


def _k1g_body(x_ref, gw_ref, gb_ref, gl_ref):
    gl_ref[...] = _mm_t(x_ref[...], gw_ref[...]) + gb_ref[...][None, :]


def _k1g(x, gate_w, gate_b):
    n = TOK // TB
    full2 = lambda shp: pl.BlockSpec(shp, lambda i: (0,) * len(shp))
    return pl.pallas_call(
        _k1g_body,
        grid=(n,),
        in_specs=[pl.BlockSpec((TB, EMBED), lambda i: (i, 0)),
                  full2((GL_W, EMBED)), full2((GL_W,))],
        out_specs=pl.BlockSpec((TB, GL_W), lambda i: (i, 0)),
        out_shape=jax.ShapeDtypeStruct((TOK, GL_W), F32),
    )(x, gate_w, gate_b)


def _k1s_body(x_ref, w1_ref, b1_ref, w2_ref, b2_ref, g_ref, bb_ref,
              w3_ref, b3_ref, so_ref):
    h = _swiglu_ln(x_ref[...], w1_ref[...], b1_ref[...][None, :],
                   w2_ref[...], b2_ref[...][None, :], g_ref[...][None, :],
                   bb_ref[...][None, :])
    so_ref[...] = _mm_t(h, w3_ref[...]) + b3_ref[...][None, :]


def _k1s(x, sw1_w, sw1_b, sw2_w, sw2_b, sln_g, sln_b, sw3_w, sw3_b):
    n = TOK // TB
    full2 = lambda shp: pl.BlockSpec(shp, lambda i: (0,) * len(shp))
    return pl.pallas_call(
        _k1s_body,
        grid=(n,),
        in_specs=[
            pl.BlockSpec((TB, EMBED), lambda i: (i, 0)),
            full2((HE, EMBED)), full2((HE,)),
            full2((HE, EMBED)), full2((HE,)),
            full2((HE,)), full2((HE,)),
            full2((EMBED, HE)), full2((EMBED,)),
        ],
        out_specs=pl.BlockSpec((TB, EMBED), lambda i: (i, 0)),
        out_shape=jax.ShapeDtypeStruct((TOK, EMBED), F32),
    )(x, sw1_w, sw1_b, sw2_w, sw2_b, sln_g, sln_b, sw3_w, sw3_b)


def _k2a_body(gl_ref, idxc_ref, idxr_ref, eb_ref,
              destrow_ref, p_ref, meta_ref):
    gl = gl_ref[...]
    idx_col = idxc_ref[...]
    idx_row = idxr_ref[...]
    rows = _iotaf((NMOE, NMOE), 0)
    cols = _iotaf((NMOE, NMOE), 1)
    occb = jnp.sum(((cols < rows) & (idx_col == idx_row)).astype(F32),
                   axis=1, keepdims=True)
    firstf = (occb == 0).astype(F32)

    ss = jax.nn.sigmoid(gl[:, 0:1])
    es = jax.nn.sigmoid(gl[:, 1:1 + E])
    sel = es + eb_ref[...]
    best_sel = sel[:, 0:1]
    best_es = es[:, 0:1]
    top1 = jnp.zeros_like(ss)
    for e in range(1, E):
        take = sel[:, e:e + 1] > best_sel
        best_sel = jnp.where(take, sel[:, e:e + 1], best_sel)
        best_es = jnp.where(take, es[:, e:e + 1], best_es)
        top1 = jnp.where(take, float(e), top1)
    wsh = jax.nn.sigmoid(ss - best_es)
    wex = 1.0 - wsh

    erow = _iotaf((NMOE, E), 1)
    oh_raw = (top1 == erow).astype(F32)
    ohf = oh_raw * firstf
    counts = jnp.sum(ohf, axis=0, keepdims=True)
    pc = jnp.floor((counts + (BLK - 1)) / BLK) * BLK
    t8r = _iotaf((E, E), 0)
    t8c = _iotaf((E, E), 1)
    poff = jnp.dot(pc, (t8r < t8c).astype(F32),
                   preferred_element_type=F32, precision=HI)
    tril = (cols < rows).astype(F32)
    cum = jnp.dot(tril, ohf, preferred_element_type=F32,
                  precision=HI)
    rank = jnp.sum(cum * oh_raw, axis=1, keepdims=True)
    dest = jnp.sum(oh_raw * poff, axis=1, keepdims=True) + rank
    dest = jnp.where(firstf > 0, dest, -1.0)

    ncol = _iotaf((NMOE, E), 0)
    firstn = jnp.min(jnp.where(ohf > 0, ncol, float(NMOE)),
                     axis=0, keepdims=True)
    erow1 = _iotaf((1, E), 1)
    e_first = jnp.min(jnp.where(counts > 0, erow1, float(E)),
                      axis=1, keepdims=True)
    e_last = jnp.max(jnp.where(counts > 0, erow1, -1.0),
                     axis=1, keepdims=True)
    sum_pc = jnp.sum(pc, axis=1, keepdims=True)
    nab = sum_pc / BLK
    sblk_col = _iotaf((NBLK, 1), 0) * BLK
    cond = (poff <= sblk_col) & (pc > 0)
    eids = _iotaf((NBLK, E), 1)
    be_col = jnp.max(jnp.where(cond, eids, -1.0), axis=1, keepdims=True)
    be_col = jnp.where(sblk_col >= sum_pc, e_last, be_col)

    p_ref[...] = jnp.concatenate(
        [jnp.where(firstf > 0, dest, 0.0), wsh * firstf, wex * firstf,
         firstf], axis=1)
    pk = jnp.concatenate(
        [dest, jnp.concatenate([be_col,
                                jnp.zeros((NMOE - NBLK, 1), F32)], 0)],
        axis=1)
    pkt = pk.T
    destrow_ref[...] = pkt[0:1, :]
    be_row = pkt[1:2, 0:NBLK]
    meta = jnp.concatenate(
        [counts, pc, poff, firstn, be_row, e_first, sum_pc, nab, e_last,
         jnp.zeros((1, 128 - 60), F32)], axis=1)
    meta_ref[...] = meta.astype(I32)


def _k2a(gl_n, idx_col, idx_row, eb_row):
    full2 = lambda shp: pl.BlockSpec(shp, lambda: (0,) * len(shp))
    return pl.pallas_call(
        _k2a_body,
        in_specs=[full2((NMOE, GL_W)), full2((NMOE, 1)), full2((1, NMOE)),
                  full2((1, E))],
        out_specs=[full2((1, NMOE)), full2((NMOE, 4)), full2((1, 128))],
        out_shape=[jax.ShapeDtypeStruct((1, NMOE), F32),
                   jax.ShapeDtypeStruct((NMOE, 4), F32),
                   jax.ShapeDtypeStruct((1, 128), I32)],
        compiler_params=pltpu.CompilerParams(
            vmem_limit_bytes=100 * 1024 * 1024),
    )(gl_n, idx_col, idx_row, eb_row)


def _k2b_body(dest_ref, p_ref, meta_ref, src_ref, ew_ref):
    b = pl.program_id(0)
    base = (b * SB).astype(F32)
    s_col = _iotaf((SB, 1), 0) + base
    m = (s_col == dest_ref[...]).astype(F32)
    iot_n = _iotaf((NMOE, 2), 0)
    onz = _iotaf((NMOE, 2), 1)
    p2 = jnp.where(onz > 0, 1.0, iot_n)
    p3 = jnp.concatenate([p2, p_ref[:, 2:3]], axis=1)
    r = jnp.dot(m, p3, preferred_element_type=F32, precision=HI)
    src_hit = r[:, 0:1]
    hit = r[:, 1:2]
    ew_ref[...] = r[:, 2:3]
    e_slot = jnp.full((SB, 1), -1.0, F32)
    for e in range(E):
        poff_e = meta_ref[0, 16 + e].astype(F32)
        cond = (s_col >= poff_e) & (meta_ref[0, 8 + e] > 0)
        e_slot = jnp.where(cond, float(e), e_slot)
    sum_pc = meta_ref[0, 57].astype(F32)
    e_lastf = meta_ref[0, 59].astype(F32)
    e_slot = jnp.where(s_col >= sum_pc, e_lastf, e_slot)
    fill = jnp.zeros((SB, 1), F32)
    for e in range(E):
        fill = jnp.where(e_slot == float(e),
                         meta_ref[0, 24 + e].astype(F32), fill)
    src_ref[...] = jnp.where(hit > 0.5, src_hit, fill).astype(I32)


def _k2b(dest_row, p, meta):
    return pl.pallas_call(
        _k2b_body,
        grid=(NSLOT // SB,),
        in_specs=[pl.BlockSpec((1, NMOE), lambda b: (0, 0)),
                  pl.BlockSpec((NMOE, 4), lambda b: (0, 0)),
                  pl.BlockSpec(memory_space=pltpu.SMEM)],
        out_specs=[pl.BlockSpec((SB, 1), lambda b: (b, 0)),
                   pl.BlockSpec((SB, 1), lambda b: (b, 0))],
        out_shape=[jax.ShapeDtypeStruct((NSLOT, 1), I32),
                   jax.ShapeDtypeStruct((NSLOT, 1), F32)],
    )(dest_row, p, meta)


def _k2c_body(idxr_ref, p_ref, sh_ref, y_ref, out_ref):
    b = pl.program_id(0)
    r_col = _iotaf((SB, 1), 0) + (b * SB).astype(F32)
    m = (r_col == idxr_ref[...]).astype(F32)
    r4 = jnp.dot(m, p_ref[...], preferred_element_type=F32, precision=HI)
    routed = r4[:, 3:4] > 0.5
    a_col = jnp.where(routed, r4[:, 1:2], 1.0)
    slot_f = jnp.where(routed, r4[:, 0:1], -1.0)
    m2 = (slot_f == _iotaf((SB, NSLOT), 1)).astype(jnp.bfloat16)
    y_add = jnp.dot(m2, y_ref[...].astype(jnp.bfloat16),
                    preferred_element_type=F32)
    out_ref[...] = sh_ref[...] * a_col + y_add


def _k2c(idx_row, p, shared_out, y_scaled):
    n = TOK // SB
    return pl.pallas_call(
        _k2c_body,
        grid=(n,),
        in_specs=[pl.BlockSpec((1, NMOE), lambda b: (0, 0)),
                  pl.BlockSpec((NMOE, 4), lambda b: (0, 0)),
                  pl.BlockSpec((SB, EMBED), lambda b: (b, 0)),
                  pl.BlockSpec((NSLOT, EMBED), lambda b: (0, 0))],
        out_specs=pl.BlockSpec((SB, EMBED), lambda b: (b, 0)),
        out_shape=jax.ShapeDtypeStruct((TOK, EMBED), F32),
        compiler_params=pltpu.CompilerParams(
            vmem_limit_bytes=100 * 1024 * 1024),
    )(idx_row, p, shared_out, y_scaled)


def _k3_body(bexp_ref, nab_ref, x_ref, w1_ref, b1_ref, w2_ref, b2_ref,
             g_ref, bb_ref, w3_ref, b3_ref, ew_ref, y_ref):
    b = pl.program_id(0)

    @pl.when(b < nab_ref[0])
    def _():
        h = _swiglu_ln(x_ref[...], w1_ref[0], b1_ref[0], w2_ref[0],
                       b2_ref[0], g_ref[...][None, :],
                       bb_ref[...][None, :])
        y_ref[...] = (_mm_t(h, w3_ref[0]) + b3_ref[0]) * ew_ref[...]

    @pl.when(b >= nab_ref[0])
    def _():
        y_ref[...] = jnp.zeros_like(y_ref)


def _k3(bexp, nabv, x_sorted, w1, b1, w2, b2, seln_g, seln_b, w3, b3,
        ew_sorted):
    grid_spec = pltpu.PrefetchScalarGridSpec(
        num_scalar_prefetch=2,
        grid=(NBLK,),
        in_specs=[
            pl.BlockSpec((BLK, EMBED), lambda b, be, na: (b, 0)),
            pl.BlockSpec((1, HE, EMBED), lambda b, be, na: (be[b], 0, 0)),
            pl.BlockSpec((1, 1, HE), lambda b, be, na: (be[b], 0, 0)),
            pl.BlockSpec((1, HE, EMBED), lambda b, be, na: (be[b], 0, 0)),
            pl.BlockSpec((1, 1, HE), lambda b, be, na: (be[b], 0, 0)),
            pl.BlockSpec((HE,), lambda b, be, na: (0,)),
            pl.BlockSpec((HE,), lambda b, be, na: (0,)),
            pl.BlockSpec((1, EMBED, HE), lambda b, be, na: (be[b], 0, 0)),
            pl.BlockSpec((1, 1, EMBED), lambda b, be, na: (be[b], 0, 0)),
            pl.BlockSpec((BLK, 1), lambda b, be, na: (b, 0)),
        ],
        out_specs=pl.BlockSpec((BLK, EMBED), lambda b, be, na: (b, 0)),
    )
    return pl.pallas_call(
        _k3_body,
        grid_spec=grid_spec,
        out_shape=jax.ShapeDtypeStruct((NSLOT, EMBED), F32),
        compiler_params=pltpu.CompilerParams(
            vmem_limit_bytes=100 * 1024 * 1024),
    )(bexp, nabv, x_sorted, w1, b1, w2, b2, seln_g, seln_b, w3, b3,
      ew_sorted)


def _sc_mesh():
    return plsc.VectorSubcoreMesh(core_axis_name="c", subcore_axis_name="s",
                                  num_cores=NC, num_subcores=NS)


def _wid():
    return lax.axis_index("s") * NC + lax.axis_index("c")


def _s1(gl_all, index_i):
    bpw = NMOE // NW

    @functools.partial(
        pl.kernel, mesh=_sc_mesh(),
        out_type=jax.ShapeDtypeStruct((NMOE, GL_W), F32),
        scratch_types=[pltpu.VMEM((bpw,), I32),
                       pltpu.VMEM((bpw, GL_W), F32),
                       pltpu.SemaphoreType.DMA])
    def k(gl_hbm, idx_hbm, out_hbm, idx_v, rows_v, sem):
        base = _wid() * bpw
        pltpu.sync_copy(idx_hbm.at[pl.ds(base, bpw)], idx_v)
        pltpu.async_copy(gl_hbm.at[idx_v], rows_v, sem).wait()
        pltpu.sync_copy(rows_v, out_hbm.at[pl.ds(base, bpw)])

    return k(gl_all, index_i)


def _s2(x, index_i, sorted_src):
    spw = NSLOT // NW
    ch = 16
    nb = 3
    gs = spw // nb

    @functools.partial(
        pl.kernel, mesh=_sc_mesh(),
        out_type=jax.ShapeDtypeStruct((NSLOT, EMBED), F32),
        compiler_params=pltpu.CompilerParams(needs_layout_passes=False),
        scratch_types=[pltpu.VMEM((NMOE,), I32),
                       pltpu.VMEM((spw,), I32),
                       pltpu.VMEM((spw,), I32)]
        + [pltpu.VMEM((gs, EMBED), F32)] * 3
        + [pltpu.SemaphoreType.DMA] * 6)
    def k(x_hbm, idx_hbm, src_hbm, out_hbm, tab_v, src_v, tid_v,
          b0, b1, b2, sg0, sg1, sg2, so0, so1, so2):
        base = _wid() * spw
        bufs = (b0, b1, b2)
        sg = (sg0, sg1, sg2)
        so = (so0, so1, so2)
        pltpu.sync_copy(idx_hbm, tab_v)
        pltpu.sync_copy(src_hbm.at[pl.ds(base, spw)], src_v)
        for c in range(spw // ch):
            sv = src_v[pl.ds(c * ch, ch)]
            tid_v[pl.ds(c * ch, ch)] = plsc.load_gather(tab_v, [sv])
        gh = [None] * nb
        oh = [None] * nb
        for s in range(nb):
            gh[s] = pltpu.async_copy(
                x_hbm.at[tid_v.at[pl.ds(s * gs, gs)]], bufs[s], sg[s])
        for s in range(nb):
            gh[s].wait()
            oh[s] = pltpu.async_copy(
                bufs[s], out_hbm.at[pl.ds(base + s * gs, gs)], so[s])
        for s in range(nb):
            oh[s].wait()

    return k(x, index_i, sorted_src)


def kernel(x, index, sw1_w, sw1_b, sw2_w, sw2_b, sln_g, sln_b, sw3_w,
           sw3_b, sg_w, sg_b, eg_w, eg_b, w1, b1, w2, b2, seln_g, seln_b,
           w3, b3, exp_bias):
    index_i = index.astype(I32)
    idx_f = index_i.astype(F32)
    idx_col = idx_f.reshape(NMOE, 1)
    idx_row = idx_f.reshape(1, NMOE)
    eb_row = exp_bias.reshape(1, E).astype(F32)
    gate_w = jnp.zeros((GL_W, EMBED), F32).at[0:1].set(sg_w)
    gate_w = gate_w.at[1:1 + E].set(eg_w)
    gate_b = jnp.zeros((GL_W,), F32).at[0:1].set(sg_b)
    gate_b = gate_b.at[1:1 + E].set(eg_b)

    gl_all = _k1g(x, gate_w, gate_b)
    gl_n = _s1(gl_all, index_i)
    dest_row, p, meta = _k2a(gl_n, idx_col, idx_row, eb_row)
    meta_flat = meta.reshape(128)
    bexp = meta_flat[32:56]
    nabv = meta_flat[58:59]
    sorted_src, ew_sorted = _k2b(dest_row, p, meta)
    x_sorted = _s2(x, index_i, sorted_src.reshape(NSLOT))
    shared_out = _k1s(x, sw1_w, sw1_b, sw2_w, sw2_b, sln_g, sln_b,
                      sw3_w, sw3_b)
    y_scaled = _k3(bexp, nabv, x_sorted, w1, b1.reshape(E, 1, HE), w2,
                   b2.reshape(E, 1, HE), seln_g, seln_b, w3,
                   b3.reshape(E, 1, EMBED), ew_sorted)
    out = _k2c(idx_row, p, shared_out, y_scaled)
    return out

# --- scband reference (transcript-rebuilt; emitter-appended) ---
"""Pipeline reference for scband-hybrid-mo-e-68899865362467 (READ-ONLY COPY).

The authoritative reference and input builder live on the scoring server;
editing this copy changes nothing except your own understanding.
"""

import jax, jax.numpy as jnp
import numpy as np

EMBED = 1024
HID = 8192
E = 8
H_E = HID // E  # 1024 per-expert hidden
TOK = 4096
NMOE = 2048


def _ln(x, g, b, eps=1e-5):
    m = jnp.mean(x, axis=-1, keepdims=True)
    v = jnp.mean((x - m) ** 2, axis=-1, keepdims=True)
    return (x - m) / jnp.sqrt(v + eps) * g + b


def _silu(x):
    return x * jax.nn.sigmoid(x)


def setup_inputs(seed: int = 0) -> dict:
    key = jax.random.key(seed)
    ks = jax.random.split(key, 24)
    s = 0.02
    inp = {}
    inp['x'] = jax.random.normal(ks[0], (TOK, EMBED), dtype=jnp.float32)
    inp['index'] = jax.random.randint(ks[1], (NMOE,), 0, TOK, dtype=jnp.int64 if jax.config.jax_enable_x64 else jnp.int32)
    # shared SwiGLU params (Linear weight layout: [out, in])
    inp['sw1_w'] = jax.random.normal(ks[2], (H_E, EMBED), dtype=jnp.float32) * s
    inp['sw1_b'] = jnp.zeros((H_E,), dtype=jnp.float32)
    inp['sw2_w'] = jax.random.normal(ks[3], (H_E, EMBED), dtype=jnp.float32) * s
    inp['sw2_b'] = jnp.zeros((H_E,), dtype=jnp.float32)
    inp['sln_g'] = jnp.ones((H_E,), dtype=jnp.float32)
    inp['sln_b'] = jnp.zeros((H_E,), dtype=jnp.float32)
    inp['sw3_w'] = jax.random.normal(ks[4], (EMBED, H_E), dtype=jnp.float32) * s
    inp['sw3_b'] = jnp.zeros((EMBED,), dtype=jnp.float32)
    # gates
    inp['sg_w'] = jax.random.normal(ks[5], (1, EMBED), dtype=jnp.float32) * s
    inp['sg_b'] = jnp.zeros((1,), dtype=jnp.float32)
    inp['eg_w'] = jax.random.normal(ks[6], (E, EMBED), dtype=jnp.float32) * s
    inp['eg_b'] = jnp.zeros((E,), dtype=jnp.float32)
    # stacked expert SwiGLU params
    inp['w1'] = jax.random.normal(ks[7], (E, H_E, EMBED), dtype=jnp.float32) * s
    inp['b1'] = jnp.zeros((E, H_E), dtype=jnp.float32)
    inp['w2'] = jax.random.normal(ks[8], (E, H_E, EMBED), dtype=jnp.float32) * s
    inp['b2'] = jnp.zeros((E, H_E), dtype=jnp.float32)
    inp['seln_g'] = jnp.ones((H_E,), dtype=jnp.float32)
    inp['seln_b'] = jnp.zeros((H_E,), dtype=jnp.float32)
    inp['w3'] = jax.random.normal(ks[9], (E, EMBED, H_E), dtype=jnp.float32) * s
    inp['b3'] = jnp.zeros((E, EMBED), dtype=jnp.float32)
    # exp_bias buffer (zeros, non-trainable)
    inp['exp_bias'] = jnp.zeros((E,), dtype=jnp.float32)
    return inp


def reference(x, index, sw1_w, sw1_b, sw2_w, sw2_b, sln_g, sln_b, sw3_w, sw3_b,
              sg_w, sg_b, eg_w, eg_b, w1, b1, w2, b2, seln_g, seln_b, w3, b3, exp_bias):
    # shared SwiGLU over all tokens
    x1 = x @ sw1_w.T + sw1_b
    x2 = x @ sw2_w.T + sw2_b
    h = _ln(_silu(x1) * x2, sln_g, sln_b)
    shared_out = h @ sw3_w.T + sw3_b  # [TOK, EMBED]

    x_moe = x[index]  # [NMOE, EMBED]
    shared_scores = jax.nn.sigmoid(x_moe @ sg_w.T + sg_b)  # [NMOE, 1]
    expert_scores = jax.nn.sigmoid(x_moe @ eg_w.T + eg_b)  # [NMOE, E]
    top1_idx = jnp.argmax(expert_scores + exp_bias, axis=-1)  # [NMOE]
    top1_score = jnp.take_along_axis(expert_scores, top1_idx[:, None], axis=-1)  # [NMOE, 1]
    combined = jnp.concatenate([shared_scores, top1_score], axis=-1)
    weights = jax.nn.softmax(combined, axis=-1)
    shared_weight = weights[:, 0]
    expert_weight = weights[:, 1]

    shared_moe_out = shared_out[index] * shared_weight[:, None]

    # dense all-expert compute, then select top-1 per token (same math as per-expert loop)
    x1a = jnp.einsum('nd,ehd->enh', x_moe, w1) + b1[:, None, :]
    x2a = jnp.einsum('nd,ehd->enh', x_moe, w2) + b2[:, None, :]
    ha = _ln(_silu(x1a) * x2a, seln_g, seln_b)
    outa = jnp.einsum('enh,edh->end', ha, w3) + b3[:, None, :]  # [E, NMOE, EMBED]
    expert_out = jnp.take_along_axis(outa, top1_idx[None, :, None], axis=0)[0]  # [NMOE, EMBED]
    expert_moe_out = expert_out * expert_weight[:, None]

    final_out = shared_out.at[index].set(shared_moe_out + expert_moe_out)
    return final_out

if __name__ == "__main__":
    import jax
    _d = setup_inputs()
    print(jax.jit(kernel)(*tuple(_d.values())))

</pallas_src>

<mosaic_0001>
#map = affine_map<(d0, d1) -> (0, 0)>
#map1 = affine_map<(d0, d1) -> (0)>
module attributes {stable_mosaic.version = 14 : i64} {
  func.func @k(%arg0: i32, %arg1: i32, %arg2: memref<4096x1024xf32, #tpu.memory_space<hbm>>, %arg3: memref<2048xi32, #tpu.memory_space<hbm>>, %arg4: memref<3072xi32, #tpu.memory_space<hbm>>, %arg5: memref<3072x1024xf32, #tpu.memory_space<hbm>>, %arg6: memref<2048xi32, #tpu.memory_space<vmem>>, %arg7: memref<96xi32, #tpu.memory_space<vmem>>, %arg8: memref<96xi32, #tpu.memory_space<vmem>>, %arg9: memref<32x1024xf32, #tpu.memory_space<vmem>>, %arg10: memref<32x1024xf32, #tpu.memory_space<vmem>>, %arg11: memref<32x1024xf32, #tpu.memory_space<vmem>>, %arg12: memref<!tpu.dma_semaphore, #tpu.memory_space<semaphore_mem>>, %arg13: memref<!tpu.dma_semaphore, #tpu.memory_space<semaphore_mem>>, %arg14: memref<!tpu.dma_semaphore, #tpu.memory_space<semaphore_mem>>, %arg15: memref<!tpu.dma_semaphore, #tpu.memory_space<semaphore_mem>>, %arg16: memref<!tpu.dma_semaphore, #tpu.memory_space<semaphore_mem>>, %arg17: memref<!tpu.dma_semaphore, #tpu.memory_space<semaphore_mem>>) attributes {dimension_semantics = [#tpu.dimension_semantics<core_parallel>, #tpu.dimension_semantics<subcore_parallel>], iteration_bounds = array<i64: 2, 16>, scalar_prefetch = 0 : i64, scratch_operands = 12 : i64, tpu.core_type = #tpu.core_type<sc_vector_subcore>, window_params = [{transform_indices = #map}, {transform_indices = #map1}, {transform_indices = #map1}, {transform_indices = #map}]} {
    %mul3A = arith.constant 2 : i32
    %mul3A_0 = arith.muli %arg1, %mul3A : i32
    %add3A = arith.addi %mul3A_0, %arg0 : i32
    %mul3A_1 = arith.constant 96 : i32
    %mul3A_2 = arith.muli %add3A, %mul3A_1 : i32
    "tpu.region"() ({
      %run_scoped3A = tpu.sem_alloc : memref<!tpu.dma_semaphore, #tpu.memory_space<semaphore_mem>>
      tpu.enqueue_dma source(%arg3 : memref<2048xi32, #tpu.memory_space<hbm>>) target(%arg6 : memref<2048xi32, #tpu.memory_space<vmem>>) target_semaphore(%run_scoped3A : memref<!tpu.dma_semaphore, #tpu.memory_space<semaphore_mem>>)
      tpu.wait_dma2 semaphore(%run_scoped3A : memref<!tpu.dma_semaphore, #tpu.memory_space<semaphore_mem>>) src(%arg3 : memref<2048xi32, #tpu.memory_space<hbm>>) dst(%arg6 : memref<2048xi32, #tpu.memory_space<vmem>>)
      tpu.yield
    }) : () -> ()
    "tpu.region"() ({
      %run_scoped3A = tpu.sem_alloc : memref<!tpu.dma_semaphore, #tpu.memory_space<semaphore_mem>>
      %dma_start3A_88 = tpu.memref_slice %arg4[%mul3A_2] : memref<3072xi32, #tpu.memory_space<hbm>> -> memref<96xi32, #tpu.memory_space<hbm>>
      %dma_start3A_89 = tpu.memref_slice %arg4[%mul3A_2] : memref<3072xi32, #tpu.memory_space<hbm>> -> memref<96xi32, #tpu.memory_space<hbm>>
      tpu.enqueue_dma source(%dma_start3A_89 : memref<96xi32, #tpu.memory_space<hbm>>) target(%arg7 : memref<96xi32, #tpu.memory_space<vmem>>) target_semaphore(%run_scoped3A : memref<!tpu.dma_semaphore, #tpu.memory_space<semaphore_mem>>)
      %dma_wait3A_90 = tpu.memref_slice %arg4[%mul3A_2] : memref<3072xi32, #tpu.memory_space<hbm>> -> memref<96xi32, #tpu.memory_space<hbm>>
      %dma_wait3A_91 = tpu.memref_slice %arg4[%mul3A_2] : memref<3072xi32, #tpu.memory_space<hbm>> -> memref<96xi32, #tpu.memory_space<hbm>>
      tpu.wait_dma2 semaphore(%run_scoped3A : memref<!tpu.dma_semaphore, #tpu.memory_space<semaphore_mem>>) src(%dma_wait3A_91 : memref<96xi32, #tpu.memory_space<hbm>>) dst(%arg7 : memref<96xi32, #tpu.memory_space<vmem>>)
      tpu.yield
    }) : () -> ()
    %get3A = arith.constant 0 : index
    %get3A_3 = tpu.vector_load %arg7[%get3A] {strides = array<i32>} : memref<96xi32, #tpu.memory_space<vmem>>, vector<16xi32>,
    %gather3A = tpu.vector_load_idx %arg6[%get3A_3] : memref<2048xi32, #tpu.memory_space<vmem>>[vector<16xi32>], vector<16xi32>,
    %swap3A = arith.constant 0 : index
    %swap3A_4 = tpu.vector_load %arg8[%swap3A] {strides = array<i32>} : memref<96xi32, #tpu.memory_space<vmem>>, vector<16xi32>,
    tpu.vector_store %arg8[%swap3A], %gather3A {strides = array<i32>} : memref<96xi32, #tpu.memory_space<vmem>>, vector<16xi32>,
    %get3A_5 = arith.constant 16 : index
    %get3A_6 = tpu.vector_load %arg7[%get3A_5] {strides = array<i32>} : memref<96xi32, #tpu.memory_space<vmem>>, vector<16xi32>,
    %gather3A_7 = tpu.vector_load_idx %arg6[%get3A_6] : memref<2048xi32, #tpu.memory_space<vmem>>[vector<16xi32>], vector<16xi32>,
    %swap3A_8 = arith.constant 16 : index
    %swap3A_9 = tpu.vector_load %arg8[%swap3A_8] {strides = array<i32>} : memref<96xi32, #tpu.memory_space<vmem>>, vector<16xi32>,
    tpu.vector_store %arg8[%swap3A_8], %gather3A_7 {strides = array<i32>} : memref<96xi32, #tpu.memory_space<vmem>>, vector<16xi32>,
    %get3A_10 = arith.constant 32 : index
    %get3A_11 = tpu.vector_load %arg7[%get3A_10] {strides = array<i32>} : memref<96xi32, #tpu.memory_space<vmem>>, vector<16xi32>,
    %gather3A_12 = tpu.vector_load_idx %arg6[%get3A_11] : memref<2048xi32, #tpu.memory_space<vmem>>[vector<16xi32>], vector<16xi32>,
    %swap3A_13 = arith.constant 32 : index
    %swap3A_14 = tpu.vector_load %arg8[%swap3A_13] {strides = array<i32>} : memref<96xi32, #tpu.memory_space<vmem>>, vector<16xi32>,
    tpu.vector_store %arg8[%swap3A_13], %gather3A_12 {strides = array<i32>} : memref<96xi32, #tpu.memory_space<vmem>>, vector<16xi32>,
    %get3A_15 = arith.constant 48 : index
    %get3A_16 = tpu.vector_load %arg7[%get3A_15] {strides = array<i32>} : memref<96xi32, #tpu.memory_space<vmem>>, vector<16xi32>,
    %gather3A_17 = tpu.vector_load_idx %arg6[%get3A_16] : memref<2048xi32, #tpu.memory_space<vmem>>[vector<16xi32>], vector<16xi32>,
    %swap3A_18 = arith.constant 48 : index
    %swap3A_19 = tpu.vector_load %arg8[%swap3A_18] {strides = array<i32>} : memref<96xi32, #tpu.memory_space<vmem>>, vector<16xi32>,
    tpu.vector_store %arg8[%swap3A_18], %gather3A_17 {strides = array<i32>} : memref<96xi32, #tpu.memory_space<vmem>>, vector<16xi32>,
    %get3A_20 = arith.constant 64 : index
    %get3A_21 = tpu.vector_load %arg7[%get3A_20] {strides = array<i32>} : memref<96xi32, #tpu.memory_space<vmem>>, vector<16xi32>,
    %gather3A_22 = tpu.vector_load_idx %arg6[%get3A_21] : memref<2048xi32, #tpu.memory_space<vmem>>[vector<16xi32>], vector<16xi32>,
    %swap3A_23 = arith.constant 64 : index
    %swap3A_24 = tpu.vector_load %arg8[%swap3A_23] {strides = array<i32>} : memref<96xi32, #tpu.memory_space<vmem>>, vector<16xi32>,
    tpu.vector_store %arg8[%swap3A_23], %gather3A_22 {strides = array<i32>} : memref<96xi32, #tpu.memory_space<vmem>>, vector<16xi32>,
    %get3A_25 = arith.constant 80 : index
    %get3A_26 = tpu.vector_load %arg7[%get3A_25] {strides = array<i32>} : memref<96xi32, #tpu.memory_space<vmem>>, vector<16xi32>,
    %gather3A_27 = tpu.vector_load_idx %arg6[%get3A_26] : memref<2048xi32, #tpu.memory_space<vmem>>[vector<16xi32>], vector<16xi32>,
    %swap3A_28 = arith.constant 80 : index
    %swap3A_29 = tpu.vector_load %arg8[%swap3A_28] {strides = array<i32>} : memref<96xi32, #tpu.memory_space<vmem>>, vector<16xi32>,
    tpu.vector_store %arg8[%swap3A_28], %gather3A_27 {strides = array<i32>} : memref<96xi32, #tpu.memory_space<vmem>>, vector<16xi32>,
    %dma_start3A = arith.constant 0 : i32
    %dma_start3A_30 = tpu.memref_slice %arg8[%dma_start3A] : memref<96xi32, #tpu.memory_space<vmem>> -> memref<32xi32, #tpu.memory_space<vmem>>
    %dma_start3A_31 = arith.constant 0 : i32
    %dma_start3A_32 = arith.constant 0 : i32
    %dma_start3A_33 = tpu.memref_slice %arg2[%dma_start3A_31, %dma_start3A_32] : memref<4096x1024xf32, #tpu.memory_space<hbm>> -> memref<4096x1024xf32, #tpu.memory_space<hbm>>
    tpu.enqueue_indirect_dma source(%dma_start3A_33 : memref<4096x1024xf32, #tpu.memory_space<hbm>>) target(%arg9 : memref<32x1024xf32, #tpu.memory_space<vmem>>) offsets(%dma_start3A_30 : memref<32xi32, #tpu.memory_space<vmem>>) semaphore(%arg12 : memref<!tpu.dma_semaphore, #tpu.memory_space<semaphore_mem>>)
    %dma_start3A_34 = arith.constant 32 : i32
    %dma_start3A_35 = tpu.memref_slice %arg8[%dma_start3A_34] : memref<96xi32, #tpu.memory_space<vmem>> -> memref<32xi32, #tpu.memory_space<vmem>>
    %dma_start3A_36 = arith.constant 0 : i32
    %dma_start3A_37 = arith.constant 0 : i32
    %dma_start3A_38 = tpu.memref_slice %arg2[%dma_start3A_36, %dma_start3A_37] : memref<4096x1024xf32, #tpu.memory_space<hbm>> -> memref<4096x1024xf32, #tpu.memory_space<hbm>>
    tpu.enqueue_indirect_dma source(%dma_start3A_38 : memref<4096x1024xf32, #tpu.memory_space<hbm>>) target(%arg10 : memref<32x1024xf32, #tpu.memory_space<vmem>>) offsets(%dma_start3A_35 : memref<32xi32, #tpu.memory_space<vmem>>) semaphore(%arg13 : memref<!tpu.dma_semaphore, #tpu.memory_space<semaphore_mem>>)
    %dma_start3A_39 = arith.constant 64 : i32
    %dma_start3A_40 = tpu.memref_slice %arg8[%dma_start3A_39] : memref<96xi32, #tpu.memory_space<vmem>> -> memref<32xi32, #tpu.memory_space<vmem>>
    %dma_start3A_41 = arith.constant 0 : i32
    %dma_start3A_42 = arith.constant 0 : i32
    %dma_start3A_43 = tpu.memref_slice %arg2[%dma_start3A_41, %dma_start3A_42] : memref<4096x1024xf32, #tpu.memory_space<hbm>> -> memref<4096x1024xf32, #tpu.memory_space<hbm>>
    tpu.enqueue_indirect_dma source(%dma_start3A_43 : memref<4096x1024xf32, #tpu.memory_space<hbm>>) target(%arg11 : memref<32x1024xf32, #tpu.memory_space<vmem>>) offsets(%dma_start3A_40 : memref<32xi32, #tpu.memory_space<vmem>>) semaphore(%arg14 : memref<!tpu.dma_semaphore, #tpu.memory_space<semaphore_mem>>)
    %dma_wait3A = arith.constant 0 : i32
    %dma_wait3A_44 = tpu.memref_slice %arg8[%dma_wait3A] : memref<96xi32, #tpu.memory_space<vmem>> -> memref<32xi32, #tpu.memory_space<vmem>>
    %dma_wait3A_45 = arith.constant 0 : i32
    %dma_wait3A_46 = arith.constant 0 : i32
    %dma_wait3A_47 = tpu.memref_slice %arg2[%dma_wait3A_45, %dma_wait3A_46] : memref<4096x1024xf32, #tpu.memory_space<hbm>> -> memref<4096x1024xf32, #tpu.memory_space<hbm>>
    tpu.wait_indirect_dma semaphore(%arg12 : memref<!tpu.dma_semaphore, #tpu.memory_space<semaphore_mem>>) src(%dma_wait3A_47 : memref<4096x1024xf32, #tpu.memory_space<hbm>>) dst(%arg9 : memref<32x1024xf32, #tpu.memory_space<vmem>>)
    %add3A_48 = arith.constant 0 : i32
    %add3A_49 = arith.addi %mul3A_2, %add3A_48 : i32
    %dma_start3A_50 = arith.constant 0 : i32
    %dma_start3A_51 = tpu.memref_slice %arg5[%add3A_49, %dma_start3A_50] : memref<3072x1024xf32, #tpu.memory_space<hbm>> -> memref<32x1024xf32, #tpu.memory_space<hbm>>
    %dma_start3A_52 = arith.constant 0 : i32
    %dma_start3A_53 = tpu.memref_slice %arg5[%add3A_49, %dma_start3A_52] : memref<3072x1024xf32, #tpu.memory_space<hbm>> -> memref<32x1024xf32, #tpu.memory_space<hbm>>
    tpu.enqueue_dma source(%arg9 : memref<32x1024xf32, #tpu.memory_space<vmem>>) target(%dma_start3A_53 : memref<32x1024xf32, #tpu.memory_space<hbm>>) target_semaphore(%arg15 : memref<!tpu.dma_semaphore, #tpu.memory_space<semaphore_mem>>)
    %dma_wait3A_54 = arith.constant 32 : i32
    %dma_wait3A_55 = tpu.memref_slice %arg8[%dma_wait3A_54] : memref<96xi32, #tpu.memory_space<vmem>> -> memref<32xi32, #tpu.memory_space<vmem>>
    %dma_wait3A_56 = arith.constant 0 : i32
    %dma_wait3A_57 = arith.constant 0 : i32
    %dma_wait3A_58 = tpu.memref_slice %arg2[%dma_wait3A_56, %dma_wait3A_57] : memref<4096x1024xf32, #tpu.memory_space<hbm>> -> memref<4096x1024xf32, #tpu.memory_space<hbm>>
    tpu.wait_indirect_dma semaphore(%arg13 : memref<!tpu.dma_semaphore, #tpu.memory_space<semaphore_mem>>) src(%dma_wait3A_58 : memref<4096x1024xf32, #tpu.memory_space<hbm>>) dst(%arg10 : memref<32x1024xf32, #tpu.memory_space<vmem>>)
    %add3A_59 = arith.constant 32 : i32
    %add3A_60 = arith.addi %mul3A_2, %add3A_59 : i32
    %dma_start3A_61 = arith.constant 0 : i32
    %dma_start3A_62 = tpu.memref_slice %arg5[%add3A_60, %dma_start3A_61] : memref<3072x1024xf32, #tpu.memory_space<hbm>> -> memref<32x1024xf32, #tpu.memory_space<hbm>>
    %dma_start3A_63 = arith.constant 0 : i32
    %dma_start3A_64 = tpu.memref_slice %arg5[%add3A_60, %dma_start3A_63] : memref<3072x1024xf32, #tpu.memory_space<hbm>> -> memref<32x1024xf32, #tpu.memory_space<hbm>>
    tpu.enqueue_dma source(%arg10 : memref<32x1024xf32, #tpu.memory_space<vmem>>) target(%dma_start3A_64 : memref<32x1024xf32, #tpu.memory_space<hbm>>) target_semaphore(%arg16 : memref<!tpu.dma_semaphore, #tpu.memory_space<semaphore_mem>>)
    %dma_wait3A_65 = arith.constant 64 : i32
    %dma_wait3A_66 = tpu.memref_slice %arg8[%dma_wait3A_65] : memref<96xi32, #tpu.memory_space<vmem>> -> memref<32xi32, #tpu.memory_space<vmem>>
    %dma_wait3A_67 = arith.constant 0 : i32
    %dma_wait3A_68 = arith.constant 0 : i32
    %dma_wait3A_69 = tpu.memref_slice %arg2[%dma_wait3A_67, %dma_wait3A_68] : memref<4096x1024xf32, #tpu.memory_space<hbm>> -> memref<4096x1024xf32, #tpu.memory_space<hbm>>
    tpu.wait_indirect_dma semaphore(%arg14 : memref<!tpu.dma_semaphore, #tpu.memory_space<semaphore_mem>>) src(%dma_wait3A_69 : memref<4096x1024xf32, #tpu.memory_space<hbm>>) dst(%arg11 : memref<32x1024xf32, #tpu.memory_space<vmem>>)
    %add3A_70 = arith.constant 64 : i32
    %add3A_71 = arith.addi %mul3A_2, %add3A_70 : i32
    %dma_start3A_72 = arith.constant 0 : i32
    %dma_start3A_73 = tpu.memref_slice %arg5[%add3A_71, %dma_start3A_72] : memref<3072x1024xf32, #tpu.memory_space<hbm>> -> memref<32x1024xf32, #tpu.memory_space<hbm>>
    %dma_start3A_74 = arith.constant 0 : i32
    %dma_start3A_75 = tpu.memref_slice %arg5[%add3A_71, %dma_start3A_74] : memref<3072x1024xf32, #tpu.memory_space<hbm>> -> memref<32x1024xf32, #tpu.memory_space<hbm>>
    tpu.enqueue_dma source(%arg11 : memref<32x1024xf32, #tpu.memory_space<vmem>>) target(%dma_start3A_75 : memref<32x1024xf32, #tpu.memory_space<hbm>>) target_semaphore(%arg17 : memref<!tpu.dma_semaphore, #tpu.memory_space<semaphore_mem>>)
    %dma_wait3A_76 = arith.constant 0 : i32
    %dma_wait3A_77 = tpu.memref_slice %arg5[%add3A_49, %dma_wait3A_76] : memref<3072x1024xf32, #tpu.memory_space<hbm>> -> memref<32x1024xf32, #tpu.memory_space<hbm>>
    %dma_wait3A_78 = arith.constant 0 : i32
    %dma_wait3A_79 = tpu.memref_slice %arg5[%add3A_49, %dma_wait3A_78] : memref<3072x1024xf32, #tpu.memory_space<hbm>> -> memref<32x1024xf32, #tpu.memory_space<hbm>>
    tpu.wait_dma2 semaphore(%arg15 : memref<!tpu.dma_semaphore, #tpu.memory_space<semaphore_mem>>) src(%arg9 : memref<32x1024xf32, #tpu.memory_space<vmem>>) dst(%dma_wait3A_79 : memref<32x1024xf32, #tpu.memory_space<hbm>>)
    %dma_wait3A_80 = arith.constant 0 : i32
    %dma_wait3A_81 = tpu.memref_slice %arg5[%add3A_60, %dma_wait3A_80] : memref<3072x1024xf32, #tpu.memory_space<hbm>> -> memref<32x1024xf32, #tpu.memory_space<hbm>>
    %dma_wait3A_82 = arith.constant 0 : i32
    %dma_wait3A_83 = tpu.memref_slice %arg5[%add3A_60, %dma_wait3A_82] : memref<3072x1024xf32, #tpu.memory_space<hbm>> -> memref<32x1024xf32, #tpu.memory_space<hbm>>
    tpu.wait_dma2 semaphore(%arg16 : memref<!tpu.dma_semaphore, #tpu.memory_space<semaphore_mem>>) src(%arg10 : memref<32x1024xf32, #tpu.memory_space<vmem>>) dst(%dma_wait3A_83 : memref<32x1024xf32, #tpu.memory_space<hbm>>)
    %dma_wait3A_84 = arith.constant 0 : i32
    %dma_wait3A_85 = tpu.memref_slice %arg5[%add3A_71, %dma_wait3A_84] : memref<3072x1024xf32, #tpu.memory_space<hbm>> -> memref<32x1024xf32, #tpu.memory_space<hbm>>
    %dma_wait3A_86 = arith.constant 0 : i32
    %dma_wait3A_87 = tpu.memref_slice %arg5[%add3A_71, %dma_wait3A_86] : memref<3072x1024xf32, #tpu.memory_space<hbm>> -> memref<32x1024xf32, #tpu.memory_space<hbm>>
    tpu.wait_dma2 semaphore(%arg17 : memref<!tpu.dma_semaphore, #tpu.memory_space<semaphore_mem>>) src(%arg11 : memref<32x1024xf32, #tpu.memory_space<vmem>>) dst(%dma_wait3A_87 : memref<32x1024xf32, #tpu.memory_space<hbm>>)
    return
  }
}

#map = affine_map<(d0, d1) -> (0, 0)>
#map1 = affine_map<(d0, d1) -> (0)>
module attributes {stable_mosaic.version = 14 : i64} {
  func.func @k(%arg0: i32, %arg1: i32, %arg2: memref<4096x128xf32, #tpu.memory_space<hbm>>, %arg3: memref<2048xi32, #tpu.memory_space<hbm>>, %arg4: memref<2048x128xf32, #tpu.memory_space<hbm>>, %arg5: memref<64xi32, #tpu.memory_space<vmem>>, %arg6: memref<64x128xf32, #tpu.memory_space<vmem>>, %arg7: memref<!tpu.dma_semaphore, #tpu.memory_space<semaphore_mem>>) attributes {dimension_semantics = [#tpu.dimension_semantics<core_parallel>, #tpu.dimension_semantics<subcore_parallel>], iteration_bounds = array<i64: 2, 16>, scalar_prefetch = 0 : i64, scratch_operands = 3 : i64, tpu.core_type = #tpu.core_type<sc_vector_subcore>, window_params = [{transform_indices = #map}, {transform_indices = #map1}, {transform_indices = #map}]} {
    %mul3A = arith.constant 2 : i32
    %mul3A_0 = arith.muli %arg1, %mul3A : i32
    %add3A = arith.addi %mul3A_0, %arg0 : i32
    %mul3A_1 = arith.constant 64 : i32
    %mul3A_2 = arith.muli %add3A, %mul3A_1 : i32
    "tpu.region"() ({
      %run_scoped3A = tpu.sem_alloc : memref<!tpu.dma_semaphore, #tpu.memory_space<semaphore_mem>>
      %dma_start3A_7 = tpu.memref_slice %arg3[%mul3A_2] : memref<2048xi32, #tpu.memory_space<hbm>> -> memref<64xi32, #tpu.memory_space<hbm>>
      %dma_start3A_8 = tpu.memref_slice %arg3[%mul3A_2] : memref<2048xi32, #tpu.memory_space<hbm>> -> memref<64xi32, #tpu.memory_space<hbm>>
      tpu.enqueue_dma source(%dma_start3A_8 : memref<64xi32, #tpu.memory_space<hbm>>) target(%arg5 : memref<64xi32, #tpu.memory_space<vmem>>) target_semaphore(%run_scoped3A : memref<!tpu.dma_semaphore, #tpu.memory_space<semaphore_mem>>)
      %dma_wait3A_9 = tpu.memref_slice %arg3[%mul3A_2] : memref<2048xi32, #tpu.memory_space<hbm>> -> memref<64xi32, #tpu.memory_space<hbm>>
      %dma_wait3A_10 = tpu.memref_slice %arg3[%mul3A_2] : memref<2048xi32, #tpu.memory_space<hbm>> -> memref<64xi32, #tpu.memory_space<hbm>>
      tpu.wait_dma2 semaphore(%run_scoped3A : memref<!tpu.dma_semaphore, #tpu.memory_space<semaphore_mem>>) src(%dma_wait3A_10 : memref<64xi32, #tpu.memory_space<hbm>>) dst(%arg5 : memref<64xi32, #tpu.memory_space<vmem>>)
      tpu.yield
    }) : () -> ()
    %dma_start3A = arith.constant 0 : i32
    %dma_start3A_3 = arith.constant 0 : i32
    %dma_start3A_4 = tpu.memref_slice %arg2[%dma_start3A, %dma_start3A_3] : memref<4096x128xf32, #tpu.memory_space<hbm>> -> memref<4096x128xf32, #tpu.memory_space<hbm>>
    tpu.enqueue_indirect_dma source(%dma_start3A_4 : memref<4096x128xf32, #tpu.memory_space<hbm>>) target(%arg6 : memref<64x128xf32, #tpu.memory_space<vmem>>) offsets(%arg5 : memref<64xi32, #tpu.memory_space<vmem>>) semaphore(%arg7 : memref<!tpu.dma_semaphore, #tpu.memory_space<semaphore_mem>>)
    %dma_wait3A = arith.constant 0 : i32
    %dma_wait3A_5 = arith.constant 0 : i32
    %dma_wait3A_6 = tpu.memref_slice %arg2[%dma_wait3A, %dma_wait3A_5] : memref<4096x128xf32, #tpu.memory_space<hbm>> -> memref<4096x128xf32, #tpu.memory_space<hbm>>
    tpu.wait_indirect_dma semaphore(%arg7 : memref<!tpu.dma_semaphore, #tpu.memory_space<semaphore_mem>>) src(%dma_wait3A_6 : memref<4096x128xf32, #tpu.memory_space<hbm>>) dst(%arg6 : memref<64x128xf32, #tpu.memory_space<vmem>>)
    "tpu.region"() ({
      %run_scoped3A = tpu.sem_alloc : memref<!tpu.dma_semaphore, #tpu.memory_space<semaphore_mem>>
      %dma_start3A_7 = arith.constant 0 : i32
      %dma_start3A_8 = tpu.memref_slice %arg4[%mul3A_2, %dma_start3A_7] : memref<2048x128xf32, #tpu.memory_space<hbm>> -> memref<64x128xf32, #tpu.memory_space<hbm>>
      %dma_start3A_9 = arith.constant 0 : i32
      %dma_start3A_10 = tpu.memref_slice %arg4[%mul3A_2, %dma_start3A_9] : memref<2048x128xf32, #tpu.memory_space<hbm>> -> memref<64x128xf32, #tpu.memory_space<hbm>>
      tpu.enqueue_dma source(%arg6 : memref<64x128xf32, #tpu.memory_space<vmem>>) target(%dma_start3A_10 : memref<64x128xf32, #tpu.memory_space<hbm>>) target_semaphore(%run_scoped3A : memref<!tpu.dma_semaphore, #tpu.memory_space<semaphore_mem>>)
      %dma_wait3A_11 = arith.constant 0 : i32
      %dma_wait3A_12 = tpu.memref_slice %arg4[%mul3A_2, %dma_wait3A_11] : memref<2048x128xf32, #tpu.memory_space<hbm>> -> memref<64x128xf32, #tpu.memory_space<hbm>>
      %dma_wait3A_13 = arith.constant 0 : i32
      %dma_wait3A_14 = tpu.memref_slice %arg4[%mul3A_2, %dma_wait3A_13] : memref<2048x128xf32, #tpu.memory_space<hbm>> -> memref<64x128xf32, #tpu.memory_space<hbm>>
      tpu.wait_dma2 semaphore(%run_scoped3A : memref<!tpu.dma_semaphore, #tpu.memory_space<semaphore_mem>>) src(%arg6 : memref<64x128xf32, #tpu.memory_space<vmem>>) dst(%dma_wait3A_14 : memref<64x128xf32, #tpu.memory_space<hbm>>)
      tpu.yield
    }) : () -> ()
    return
  }
}

module attributes {stable_mosaic.version = 14 : i64} {
  func.func @_k2b_body(%arg0: i32, %arg1: memref<1x2048xf32, #tpu.memory_space<vmem>>, %arg2: memref<2048x4xf32, #tpu.memory_space<vmem>>, %arg3: memref<1x128xi32, #tpu.memory_space<smem>>, %arg4: memref<512x1xi32, #tpu.memory_space<vmem>>, %arg5: memref<512x1xf32, #tpu.memory_space<vmem>>) attributes {dimension_semantics = [#tpu.dimension_semantics<arbitrary>], iteration_bounds = array<i64: 6>, scalar_prefetch = 0 : i64, scratch_operands = 0 : i64, tpu.core_type = #tpu.core_type<tc>, window_params = [{pipeline_mode = #tpu.pipeline_mode<synchronous>, transform_indices = @transform_0, window_bounds = array<i64: 1, 2048>}, {pipeline_mode = #tpu.pipeline_mode<synchronous>, transform_indices = @transform_1, window_bounds = array<i64: 2048, 4>}, {transform_indices = @transform_2, window_bounds = array<i64: 1, 128>}, {transform_indices = @transform_3, window_bounds = array<i64: 512, 1>}, {transform_indices = @transform_4, window_bounds = array<i64: 512, 1>}]} {
    %mul3A = arith.constant 512 : i32
    %mul3A_0 = arith.muli %arg0, %mul3A : i32
    %convert_element_type3A = arith.sitofp %mul3A_0 : i32 to f32
    %iota3A = tpu.iota {dimensions = array<i32: 0>} : vector<512x1xi32>
    %convert_element_type3A_1 = arith.sitofp %iota3A : vector<512x1xi32> to vector<512x1xf32>
    %add3A = vector.broadcast %convert_element_type3A : f32 to vector<512x1xf32>
    %add3A_2 = arith.addf %convert_element_type3A_1, %add3A : vector<512x1xf32>
    %get3A = arith.constant 0 : index
    %get3A_3 = arith.constant 0 : index
    %get3A_4 = vector.load %arg1[%get3A, %get3A_3] : memref<1x2048xf32, #tpu.memory_space<vmem>>, vector<1x2048xf32>
    %eq3A = vector.broadcast %add3A_2 : vector<512x1xf32> to vector<512x2048xf32>
    %eq3A_5 = vector.broadcast %get3A_4 : vector<1x2048xf32> to vector<512x2048xf32>
    %eq3A_6 = arith.cmpf oeq, %eq3A, %eq3A_5 : vector<512x2048xf32>
    %convert_element_type3A_7 = arith.extui %eq3A_6 : vector<512x2048xi1> to vector<512x2048xi32>
    %convert_element_type3A_8 = arith.sitofp %convert_element_type3A_7 : vector<512x2048xi32> to vector<512x2048xf32>
    %iota3A_9 = tpu.iota {dimensions = array<i32: 0>} : vector<2048x2xi32>
    %convert_element_type3A_10 = arith.sitofp %iota3A_9 : vector<2048x2xi32> to vector<2048x2xf32>
    %iota3A_11 = tpu.iota {dimensions = array<i32: 1>} : vector<2048x2xi32>
    %convert_element_type3A_12 = arith.sitofp %iota3A_11 : vector<2048x2xi32> to vector<2048x2xf32>
    %gt3A = arith.constant 0.000000e+00 : f32
    %gt3A_13 = vector.broadcast %gt3A : f32 to vector<2048x2xf32>
    %gt3A_14 = arith.cmpf ogt, %convert_element_type3A_12, %gt3A_13 : vector<2048x2xf32>
    %jit3A = arith.constant 1.000000e+00 : f32
    %broadcast_in_dim3A = vector.broadcast %jit3A : f32 to vector<2048x2xf32>
    %select_n3A = arith.select %gt3A_14, %broadcast_in_dim3A, %convert_element_type3A_10 : vector<2048x2xi1>, vector<2048x2xf32>
    %get3A_15 = arith.constant 0 : index
    %get3A_16 = arith.constant 2 : index
    %get3A_17 = vector.load %arg2[%get3A_15, %get3A_16] : memref<2048x4xf32, #tpu.memory_space<vmem>>, vector<2048x1xf32>
    %concatenate3A = tpu.concatenate %select_n3A, %get3A_17 in 1 : vector<2048x2xf32>, vector<2048x1xf32> -> vector<2048x3xf32>
    %dot_general3A = arith.constant dense<0.000000e+00> : vector<512x3xf32>
    %dot_general3A_18 = tpu.matmul %convert_element_type3A_8, %concatenate3A, %dot_general3A {dimension_numbers = #tpu.dot_dimension_numbers<[1], [0], [0], [1], [0, 0, 1, 1], [], []>, precision = #tpu.contract_precision<fp32>, transpose_lhs_hint = false} : vector<512x2048xf32>, vector<2048x3xf32>, vector<512x3xf32> -> vector<512x3xf32>
    %slice3A = vector.extract_strided_slice %dot_general3A_18 {offsets = [0, 0], sizes = [512, 1], strides = [1, 1]} : vector<512x3xf32> to vector<512x1xf32>
    %slice3A_19 = vector.extract_strided_slice %dot_general3A_18 {offsets = [0, 1], sizes = [512, 1], strides = [1, 1]} : vector<512x3xf32> to vector<512x1xf32>
    %slice3A_20 = vector.extract_strided_slice %dot_general3A_18 {offsets = [0, 2], sizes = [512, 1], strides = [1, 1]} : vector<512x3xf32> to vector<512x1xf32>
    %swap3A = arith.constant 0 : index
    %swap3A_21 = arith.constant 0 : index
    %swap3A_22 = vector.load %arg5[%swap3A, %swap3A_21] : memref<512x1xf32, #tpu.memory_space<vmem>>, vector<512x1xf32>
    tpu.vector_store %arg5[%swap3A, %swap3A_21], %slice3A_20 {strides = array<i32>} : memref<512x1xf32, #tpu.memory_space<vmem>>, vector<512x1xf32>,
    %broadcast_in_dim3A_23 = arith.constant -1.000000e+00 : f32
    %broadcast_in_dim3A_24 = vector.broadcast %broadcast_in_dim3A_23 : f32 to vector<512x1xf32>
    %get3A_25 = arith.constant 0 : index
    %get3A_26 = arith.constant 16 : index
    %get3A_27 = memref.load %arg3[%get3A_25, %get3A_26] : memref<1x128xi32, #tpu.memory_space<smem>>
    %convert_element_type3A_28 = arith.sitofp %get3A_27 : i32 to f32
    %ge3A = vector.broadcast %convert_element_type3A_28 : f32 to vector<512x1xf32>
    %ge3A_29 = arith.cmpf oge, %add3A_2, %ge3A : vector<512x1xf32>
    %get3A_30 = arith.constant 0 : index
    %get3A_31 = arith.constant 8 : index
    %get3A_32 = memref.load %arg3[%get3A_30, %get3A_31] : memref<1x128xi32, #tpu.memory_space<smem>>
    %gt3A_33 = arith.constant 0 : i32
    %gt3A_34 = arith.cmpi sgt, %get3A_32, %gt3A_33 : i32
    %and3A = vector.broadcast %gt3A_34 : i1 to vector<512x1xi1>
    %and3A_35 = arith.andi %ge3A_29, %and3A : vector<512x1xi1>
    %jit3A_36 = arith.constant 0.000000e+00 : f32
    %broadcast_in_dim3A_37 = vector.broadcast %jit3A_36 : f32 to vector<512x1xf32>
    %select_n3A_38 = arith.select %and3A_35, %broadcast_in_dim3A_37, %broadcast_in_dim3A_24 : vector<512x1xi1>, vector<512x1xf32>
    %get3A_39 = arith.constant 0 : index
    %get3A_40 = arith.constant 17 : index
    %get3A_41 = memref.load %arg3[%get3A_39, %get3A_40] : memref<1x128xi32, #tpu.memory_space<smem>>
    %convert_element_type3A_42 = arith.sitofp %get3A_41 : i32 to f32
    %ge3A_43 = vector.broadcast %convert_element_type3A_42 : f32 to vector<512x1xf32>
    %ge3A_44 = arith.cmpf oge, %add3A_2, %ge3A_43 : vector<512x1xf32>
    %get3A_45 = arith.constant 0 : index
    %get3A_46 = arith.constant 9 : index
    %get3A_47 = memref.load %arg3[%get3A_45, %get3A_46] : memref<1x128xi32, #tpu.memory_space<smem>>
    %gt3A_48 = arith.constant 0 : i32
    %gt3A_49 = arith.cmpi sgt, %get3A_47, %gt3A_48 : i32
    %and3A_50 = vector.broadcast %gt3A_49 : i1 to vector<512x1xi1>
    %and3A_51 = arith.andi %ge3A_44, %and3A_50 : vector<512x1xi1>
    %jit3A_52 = arith.constant 1.000000e+00 : f32
    %broadcast_in_dim3A_53 = vector.broadcast %jit3A_52 : f32 to vector<512x1xf32>
    %select_n3A_54 = arith.select %and3A_51, %broadcast_in_dim3A_53, %select_n3A_38 : vector<512x1xi1>, vector<512x1xf32>
    %get3A_55 = arith.constant 0 : index
    %get3A_56 = arith.constant 18 : index
    %get3A_57 = memref.load %arg3[%get3A_55, %get3A_56] : memref<1x128xi32, #tpu.memory_space<smem>>
    %convert_element_type3A_58 = arith.sitofp %get3A_57 : i32 to f32
    %ge3A_59 = vector.broadcast %convert_element_type3A_58 : f32 to vector<512x1xf32>
    %ge3A_60 = arith.cmpf oge, %add3A_2, %ge3A_59 : vector<512x1xf32>
    %get3A_61 = arith.constant 0 : index
    %get3A_62 = arith.constant 10 : index
    %get3A_63 = memref.load %arg3[%get3A_61, %get3A_62] : memref<1x128xi32, #tpu.memory_space<smem>>
    %gt3A_64 = arith.constant 0 : i32
    %gt3A_65 = arith.cmpi sgt, %get3A_63, %gt3A_64 : i32
    %and3A_66 = vector.broadcast %gt3A_65 : i1 to vector<512x1xi1>
    %and3A_67 = arith.andi %ge3A_60, %and3A_66 : vector<512x1xi1>
    %jit3A_68 = arith.constant 2.000000e+00 : f32
    %broadcast_in_dim3A_69 = vector.broadcast %jit3A_68 : f32 to vector<512x1xf32>
    %select_n3A_70 = arith.select %and3A_67, %broadcast_in_dim3A_69, %select_n3A_54 : vector<512x1xi1>, vector<512x1xf32>
    %get3A_71 = arith.constant 0 : index
    %get3A_72 = arith.constant 19 : index
    %get3A_73 = memref.load %arg3[%get3A_71, %get3A_72] : memref<1x128xi32, #tpu.memory_space<smem>>
    %convert_element_type3A_74 = arith.sitofp %get3A_73 : i32 to f32
    %ge3A_75 = vector.broadcast %convert_element_type3A_74 : f32 to vector<512x1xf32>
    %ge3A_76 = arith.cmpf oge, %add3A_2, %ge3A_75 : vector<512x1xf32>
    %get3A_77 = arith.constant 0 : index
    %get3A_78 = arith.constant 11 : index
    %get3A_79 = memref.load %arg3[%get3A_77, %get3A_78] : memref<1x128xi32, #tpu.memory_space<smem>>
    %gt3A_80 = arith.constant 0 : i32
    %gt3A_81 = arith.cmpi sgt, %get3A_79, %gt3A_80 : i32
    %and3A_82 = vector.broadcast %gt3A_81 : i1 to vector<512x1xi1>
    %and3A_83 = arith.andi %ge3A_76, %and3A_82 : vector<512x1xi1>
    %jit3A_84 = arith.constant 3.000000e+00 : f32
    %broadcast_in_dim3A_85 = vector.broadcast %jit3A_84 : f32 to vector<512x1xf32>
    %select_n3A_86 = arith.select %and3A_83, %broadcast_in_dim3A_85, %select_n3A_70 : vector<512x1xi1>, vector<512x1xf32>
    %get3A_87 = arith.constant 0 : index
    %get3A_88 = arith.constant 20 : index
    %get3A_89 = memref.load %arg3[%get3A_87, %get3A_88] : memref<1x128xi32, #tpu.memory_space<smem>>
    %convert_element_type3A_90 = arith.sitofp %get3A_89 : i32 to f32
    %ge3A_91 = vector.broadcast %convert_element_type3A_90 : f32 to vector<512x1xf32>
    %ge3A_92 = arith.cmpf oge, %add3A_2, %ge3A_91 : vector<512x1xf32>
    %get3A_93 = arith.constant 0 : index
    %get3A_94 = arith.constant 12 : index
    %get3A_95 = memref.load %arg3[%get3A_93, %get3A_94] : memref<1x128xi32, #tpu.memory_space<smem>>
    %gt3A_96 = arith.constant 0 : i32
    %gt3A_97 = arith.cmpi sgt, %get3A_95, %gt3A_96 : i32
    %and3A_98 = vector.broadcast %gt3A_97 : i1 to vector<512x1xi1>
    %and3A_99 = arith.andi %ge3A_92, %and3A_98 : vector<512x1xi1>
    %jit3A_100 = arith.constant 4.000000e+00 : f32
    %broadcast_in_dim3A_101 = vector.broadcast %jit3A_100 : f32 to vector<512x1xf32>
    %select_n3A_102 = arith.select %and3A_99, %broadcast_in_dim3A_101, %select_n3A_86 : vector<512x1xi1>, vector<512x1xf32>
    %get3A_103 = arith.constant 0 : index
    %get3A_104 = arith.constant 21 : index
    %get3A_105 = memref.load %arg3[%get3A_103, %get3A_104] : memref<1x128xi32, #tpu.memory_space<smem>>
    %convert_element_type3A_106 = arith.sitofp %get3A_105 : i32 to f32
    %ge3A_107 = vector.broadcast %convert_element_type3A_106 : f32 to vector<512x1xf32>
    %ge3A_108 = arith.cmpf oge, %add3A_2, %ge3A_107 : vector<512x1xf32>
    %get3A_109 = arith.constant 0 : index
    %get3A_110 = arith.constant 13 : index
    %get3A_111 = memref.load %arg3[%get3A_109, %get3A_110] : memref<1x128xi32, #tpu.memory_space<smem>>
    %gt3A_112 = arith.constant 0 : i32
    %gt3A_113 = arith.cmpi sgt, %get3A_111, %gt3A_112 : i32
    %and3A_114 = vector.broadcast %gt3A_113 : i1 to vector<512x1xi1>
    %and3A_115 = arith.andi %ge3A_108, %and3A_114 : vector<512x1xi1>
    %jit3A_116 = arith.constant 5.000000e+00 : f32
    %broadcast_in_dim3A_117 = vector.broadcast %jit3A_116 : f32 to vector<512x1xf32>
    %select_n3A_118 = arith.select %and3A_115, %broadcast_in_dim3A_117, %select_n3A_102 : vector<512x1xi1>, vector<512x1xf32>
    %get3A_119 = arith.constant 0 : index
    %get3A_120 = arith.constant 22 : index
    %get3A_121 = memref.load %arg3[%get3A_119, %get3A_120] : memref<1x128xi32, #tpu.memory_space<smem>>
    %convert_element_type3A_122 = arith.sitofp %get3A_121 : i32 to f32
    %ge3A_123 = vector.broadcast %convert_element_type3A_122 : f32 to vector<512x1xf32>
    %ge3A_124 = arith.cmpf oge, %add3A_2, %ge3A_123 : vector<512x1xf32>
    %get3A_125 = arith.constant 0 : index
    %get3A_126 = arith.constant 14 : index
    %get3A_127 = memref.load %arg3[%get3A_125, %get3A_126] : memref<1x128xi32, #tpu.memory_space<smem>>
    %gt3A_128 = arith.constant 0 : i32
    %gt3A_129 = arith.cmpi sgt, %get3A_127, %gt3A_128 : i32
    %and3A_130 = vector.broadcast %gt3A_129 : i1 to vector<512x1xi1>
    %and3A_131 = arith.andi %ge3A_124, %and3A_130 : vector<512x1xi1>
    %jit3A_132 = arith.constant 6.000000e+00 : f32
    %broadcast_in_dim3A_133 = vector.broadcast %jit3A_132 : f32 to vector<512x1xf32>
    %select_n3A_134 = arith.select %and3A_131, %broadcast_in_dim3A_133, %select_n3A_118 : vector<512x1xi1>, vector<512x1xf32>
    %get3A_135 = arith.constant 0 : index
    %get3A_136 = arith.constant 23 : index
    %get3A_137 = memref.load %arg3[%get3A_135, %get3A_136] : memref<1x128xi32, #tpu.memory_space<smem>>
    %convert_element_type3A_138 = arith.sitofp %get3A_137 : i32 to f32
    %ge3A_139 = vector.broadcast %convert_element_type3A_138 : f32 to vector<512x1xf32>
    %ge3A_140 = arith.cmpf oge, %add3A_2, %ge3A_139 : vector<512x1xf32>
    %get3A_141 = arith.constant 0 : index
    %get3A_142 = arith.constant 15 : index
    %get3A_143 = memref.load %arg3[%get3A_141, %get3A_142] : memref<1x128xi32, #tpu.memory_space<smem>>
    %gt3A_144 = arith.constant 0 : i32
    %gt3A_145 = arith.cmpi sgt, %get3A_143, %gt3A_144 : i32
    %and3A_146 = vector.broadcast %gt3A_145 : i1 to vector<512x1xi1>
    %and3A_147 = arith.andi %ge3A_140, %and3A_146 : vector<512x1xi1>
    %jit3A_148 = arith.constant 7.000000e+00 : f32
    %broadcast_in_dim3A_149 = vector.broadcast %jit3A_148 : f32 to vector<512x1xf32>
    %select_n3A_150 = arith.select %and3A_147, %broadcast_in_dim3A_149, %select_n3A_134 : vector<512x1xi1>, vector<512x1xf32>
    %get3A_151 = arith.constant 0 : index
    %get3A_152 = arith.constant 57 : index
    %get3A_153 = memref.load %arg3[%get3A_151, %get3A_152] : memref<1x128xi32, #tpu.memory_space<smem>>
    %convert_element_type3A_154 = arith.sitofp %get3A_153 : i32 to f32
    %get3A_155 = arith.constant 0 : index
    %get3A_156 = arith.constant 59 : index
    %get3A_157 = memref.load %arg3[%get3A_155, %get3A_156] : memref<1x128xi32, #tpu.memory_space<smem>>
    %convert_element_type3A_158 = arith.sitofp %get3A_157 : i32 to f32
    %ge3A_159 = vector.broadcast %convert_element_type3A_154 : f32 to vector<512x1xf32>
    %ge3A_160 = arith.cmpf oge, %add3A_2, %ge3A_159 : vector<512x1xf32>
    %broadcast_in_dim3A_161 = vector.broadcast %convert_element_type3A_158 : f32 to vector<512x1xf32>
    %select_n3A_162 = arith.select %ge3A_160, %broadcast_in_dim3A_161, %select_n3A_150 : vector<512x1xi1>, vector<512x1xf32>
    %broadcast_in_dim3A_163 = arith.constant 0.000000e+00 : f32
    %broadcast_in_dim3A_164 = vector.broadcast %broadcast_in_dim3A_163 : f32 to vector<512x1xf32>
    %eq3A_165 = arith.constant 0.000000e+00 : f32
    %eq3A_166 = vector.broadcast %eq3A_165 : f32 to vector<512x1xf32>
    %eq3A_167 = arith.cmpf oeq, %select_n3A_162, %eq3A_166 : vector<512x1xf32>
    %get3A_168 = arith.constant 0 : index
    %get3A_169 = arith.constant 24 : index
    %get3A_170 = memref.load %arg3[%get3A_168, %get3A_169] : memref<1x128xi32, #tpu.memory_space<smem>>
    %convert_element_type3A_171 = arith.sitofp %get3A_170 : i32 to f32
    %broadcast_in_dim3A_172 = vector.broadcast %convert_element_type3A_171 : f32 to vector<512x1xf32>
    %select_n3A_173 = arith.select %eq3A_167, %broadcast_in_dim3A_172, %broadcast_in_dim3A_164 : vector<512x1xi1>, vector<512x1xf32>
    %eq3A_174 = arith.constant 1.000000e+00 : f32
    %eq3A_175 = vector.broadcast %eq3A_174 : f32 to vector<512x1xf32>
    %eq3A_176 = arith.cmpf oeq, %select_n3A_162, %eq3A_175 : vector<512x1xf32>
    %get3A_177 = arith.constant 0 : index
    %get3A_178 = arith.constant 25 : index
    %get3A_179 = memref.load %arg3[%get3A_177, %get3A_178] : memref<1x128xi32, #tpu.memory_space<smem>>
    %convert_element_type3A_180 = arith.sitofp %get3A_179 : i32 to f32
    %broadcast_in_dim3A_181 = vector.broadcast %convert_element_type3A_180 : f32 to vector<512x1xf32>
    %select_n3A_182 = arith.select %eq3A_176, %broadcast_in_dim3A_181, %select_n3A_173 : vector<512x1xi1>, vector<512x1xf32>
    %eq3A_183 = arith.constant 2.000000e+00 : f32
    %eq3A_184 = vector.broadcast %eq3A_183 : f32 to vector<512x1xf32>
    %eq3A_185 = arith.cmpf oeq, %select_n3A_162, %eq3A_184 : vector<512x1xf32>
    %get3A_186 = arith.constant 0 : index
    %get3A_187 = arith.constant 26 : index
    %get3A_188 = memref.load %arg3[%get3A_186, %get3A_187] : memref<1x128xi32, #tpu.memory_space<smem>>
    %convert_element_type3A_189 = arith.sitofp %get3A_188 : i32 to f32
    %broadcast_in_dim3A_190 = vector.broadcast %convert_element_type3A_189 : f32 to vector<512x1xf32>
    %select_n3A_191 = arith.select %eq3A_185, %broadcast_in_dim3A_190, %select_n3A_182 : vector<512x1xi1>, vector<512x1xf32>
    %eq3A_192 = arith.constant 3.000000e+00 : f32
    %eq3A_193 = vector.broadcast %eq3A_192 : f32 to vector<512x1xf32>
    %eq3A_194 = arith.cmpf oeq, %select_n3A_162, %eq3A_193 : vector<512x1xf32>
    %get3A_195 = arith.constant 0 : index
    %get3A_196 = arith.constant 27 : index
    %get3A_197 = memref.load %arg3[%get3A_195, %get3A_196] : memref<1x128xi32, #tpu.memory_space<smem>>
    %convert_element_type3A_198 = arith.sitofp %get3A_197 : i32 to f32
    %broadcast_in_dim3A_199 = vector.broadcast %convert_element_type3A_198 : f32 to vector<512x1xf32>
    %select_n3A_200 = arith.select %eq3A_194, %broadcast_in_dim3A_199, %select_n3A_191 : vector<512x1xi1>, vector<512x1xf32>
    %eq3A_201 = arith.constant 4.000000e+00 : f32
    %eq3A_202 = vector.broadcast %eq3A_201 : f32 to vector<512x1xf32>
    %eq3A_203 = arith.cmpf oeq, %select_n3A_162, %eq3A_202 : vector<512x1xf32>
    %get3A_204 = arith.constant 0 : index
    %get3A_205 = arith.constant 28 : index
    %get3A_206 = memref.load %arg3[%get3A_204, %get3A_205] : memref<1x128xi32, #tpu.memory_space<smem>>
    %convert_element_type3A_207 = arith.sitofp %get3A_206 : i32 to f32
    %broadcast_in_dim3A_208 = vector.broadcast %convert_element_type3A_207 : f32 to vector<512x1xf32>
    %select_n3A_209 = arith.select %eq3A_203, %broadcast_in_dim3A_208, %select_n3A_200 : vector<512x1xi1>, vector<512x1xf32>
    %eq3A_210 = arith.constant 5.000000e+00 : f32
    %eq3A_211 = vector.broadcast %eq3A_210 : f32 to vector<512x1xf32>
    %eq3A_212 = arith.cmpf oeq, %select_n3A_162, %eq3A_211 : vector<512x1xf32>
    %get3A_213 = arith.constant 0 : index
    %get3A_214 = arith.constant 29 : index
    %get3A_215 = memref.load %arg3[%get3A_213, %get3A_214] : memref<1x128xi32, #tpu.memory_space<smem>>
    %convert_element_type3A_216 = arith.sitofp %get3A_215 : i32 to f32
    %broadcast_in_dim3A_217 = vector.broadcast %convert_element_type3A_216 : f32 to vector<512x1xf32>
    %select_n3A_218 = arith.select %eq3A_212, %broadcast_in_dim3A_217, %select_n3A_209 : vector<512x1xi1>, vector<512x1xf32>
    %eq3A_219 = arith.constant 6.000000e+00 : f32
    %eq3A_220 = vector.broadcast %eq3A_219 : f32 to vector<512x1xf32>
    %eq3A_221 = arith.cmpf oeq, %select_n3A_162, %eq3A_220 : vector<512x1xf32>
    %get3A_222 = arith.constant 0 : index
    %get3A_223 = arith.constant 30 : index
    %get3A_224 = memref.load %arg3[%get3A_222, %get3A_223] : memref<1x128xi32, #tpu.memory_space<smem>>
    %convert_element_type3A_225 = arith.sitofp %get3A_224 : i32 to f32
    %broadcast_in_dim3A_226 = vector.broadcast %convert_element_type3A_225 : f32 to vector<512x1xf32>
    %select_n3A_227 = arith.select %eq3A_221, %broadcast_in_dim3A_226, %select_n3A_218 : vector<512x1xi1>, vector<512x1xf32>
    %eq3A_228 = arith.constant 7.000000e+00 : f32
    %eq3A_229 = vector.broadcast %eq3A_228 : f32 to vector<512x1xf32>
    %eq3A_230 = arith.cmpf oeq, %select_n3A_162, %eq3A_229 : vector<512x1xf32>
    %get3A_231 = arith.constant 0 : index
    %get3A_232 = arith.constant 31 : index
    %get3A_233 = memref.load %arg3[%get3A_231, %get3A_232] : memref<1x128xi32, #tpu.memory_space<smem>>
    %convert_element_type3A_234 = arith.sitofp %get3A_233 : i32 to f32
    %broadcast_in_dim3A_235 = vector.broadcast %convert_element_type3A_234 : f32 to vector<512x1xf32>
    %select_n3A_236 = arith.select %eq3A_230, %broadcast_in_dim3A_235, %select_n3A_227 : vector<512x1xi1>, vector<512x1xf32>
    %gt3A_237 = arith.constant 5.000000e-01 : f32
    %gt3A_238 = vector.broadcast %gt3A_237 : f32 to vector<512x1xf32>
    %gt3A_239 = arith.cmpf ogt, %slice3A_19, %gt3A_238 : vector<512x1xf32>
    %select_n3A_240 = arith.select %gt3A_239, %slice3A, %select_n3A_236 : vector<512x1xi1>, vector<512x1xf32>
    %convert_element_type3A_241 = arith.fptosi %select_n3A_240 : vector<512x1xf32> to vector<512x1xi32>
    %swap3A_242 = arith.constant 0 : index
    %swap3A_243 = arith.constant 0 : index
    %swap3A_244 = vector.load %arg4[%swap3A_242, %swap3A_243] : memref<512x1xi32, #tpu.memory_space<vmem>>, vector<512x1xi32>
    tpu.vector_store %arg4[%swap3A_242, %swap3A_243], %convert_element_type3A_241 {strides = array<i32>} : memref<512x1xi32, #tpu.memory_space<vmem>>, vector<512x1xi32>,
    return
  }
  func.func @transform_0(%arg0: i32) -> (i32, i32) {
    %c0_i32 = arith.constant 0 : i32
    %c0_i32_0 = arith.constant 0 : i32
    %c0_i32_1 = arith.constant 0 : i32
    return %c0_i32, %c0_i32_0 : i32, i32
  }
  func.func @transform_1(%arg0: i32) -> (i32, i32) {
    %c0_i32 = arith.constant 0 : i32
    %c0_i32_0 = arith.constant 0 : i32
    %c0_i32_1 = arith.constant 0 : i32
    return %c0_i32, %c0_i32_0 : i32, i32
  }
  func.func @transform_2(%arg0: i32) -> (i32, i32) {
    %c0_i32 = arith.constant 0 : i32
    %c0_i32_0 = arith.constant 0 : i32
    %c0_i32_1 = arith.constant 0 : i32
    return %c0_i32, %c0_i32_0 : i32, i32
  }
  func.func @transform_3(%arg0: i32) -> (i32, i32) {
    %c0_i32 = arith.constant 0 : i32
    %c0_i32_0 = arith.constant 0 : i32
    return %arg0, %c0_i32 : i32, i32
  }
  func.func @transform_4(%arg0: i32) -> (i32, i32) {
    %c0_i32 = arith.constant 0 : i32
    %c0_i32_0 = arith.constant 0 : i32
    return %arg0, %c0_i32 : i32, i32
  }
}

module attributes {stable_mosaic.version = 14 : i64} {
  func.func @_k1g_body(%arg0: i32, %arg1: memref<512x1024xf32, #tpu.memory_space<vmem>>, %arg2: memref<128x1024xf32, #tpu.memory_space<vmem>>, %arg3: memref<128xf32, #tpu.memory_space<vmem>>, %arg4: memref<512x128xf32, #tpu.memory_space<vmem>>) attributes {dimension_semantics = [#tpu.dimension_semantics<arbitrary>], iteration_bounds = array<i64: 8>, scalar_prefetch = 0 : i64, scratch_operands = 0 : i64, tpu.core_type = #tpu.core_type<tc>, window_params = [{transform_indices = @transform_0, window_bounds = array<i64: 512, 1024>}, {pipeline_mode = #tpu.pipeline_mode<synchronous>, transform_indices = @transform_1, window_bounds = array<i64: 128, 1024>}, {pipeline_mode = #tpu.pipeline_mode<synchronous>, transform_indices = @transform_2, window_bounds = array<i64: 128>}, {transform_indices = @transform_3, window_bounds = array<i64: 512, 128>}]} {
    %get3A = arith.constant 0 : index
    %get3A_0 = arith.constant 0 : index
    %get3A_1 = vector.load %arg1[%get3A, %get3A_0] : memref<512x1024xf32, #tpu.memory_space<vmem>>, vector<512x1024xf32>
    %get3A_2 = arith.constant 0 : index
    %get3A_3 = arith.constant 0 : index
    %get3A_4 = vector.load %arg2[%get3A_2, %get3A_3] : memref<128x1024xf32, #tpu.memory_space<vmem>>, vector<128x1024xf32>
    %dot_general3A = arith.constant dense<0.000000e+00> : vector<512x128xf32>
    %dot_general3A_5 = tpu.matmul %get3A_1, %get3A_4, %dot_general3A {dimension_numbers = #tpu.dot_dimension_numbers<[1], [1], [0], [0], [0, 0, 1, 0], [], []>, transpose_lhs_hint = false} : vector<512x1024xf32>, vector<128x1024xf32>, vector<512x128xf32> -> vector<512x128xf32>
    %get3A_6 = arith.constant 0 : index
    %get3A_7 = vector.load %arg3[%get3A_6] : memref<128xf32, #tpu.memory_space<vmem>>, vector<128xf32>
    %broadcast_in_dim3A = vector.shape_cast %get3A_7 : vector<128xf32> to vector<1x128xf32>
    %add3A = vector.broadcast %broadcast_in_dim3A : vector<1x128xf32> to vector<512x128xf32>
    %add3A_8 = arith.addf %dot_general3A_5, %add3A : vector<512x128xf32>
    %swap3A = arith.constant 0 : index
    %swap3A_9 = arith.constant 0 : index
    %swap3A_10 = vector.load %arg4[%swap3A, %swap3A_9] : memref<512x128xf32, #tpu.memory_space<vmem>>, vector<512x128xf32>
    tpu.vector_store %arg4[%swap3A, %swap3A_9], %add3A_8 {strides = array<i32>} : memref<512x128xf32, #tpu.memory_space<vmem>>, vector<512x128xf32>,
    return
  }
  func.func @transform_0(%arg0: i32) -> (i32, i32) {
    %c0_i32 = arith.constant 0 : i32
    %c0_i32_0 = arith.constant 0 : i32
    return %arg0, %c0_i32 : i32, i32
  }
  func.func @transform_1(%arg0: i32) -> (i32, i32) {
    %c0_i32 = arith.constant 0 : i32
    %c0_i32_0 = arith.constant 0 : i32
    %c0_i32_1 = arith.constant 0 : i32
    return %c0_i32, %c0_i32_0 : i32, i32
  }
  func.func @transform_2(%arg0: i32) -> i32 {
    %c0_i32 = arith.constant 0 : i32
    %c0_i32_0 = arith.constant 0 : i32
    return %c0_i32 : i32
  }
  func.func @transform_3(%arg0: i32) -> (i32, i32) {
    %c0_i32 = arith.constant 0 : i32
    %c0_i32_0 = arith.constant 0 : i32
    return %arg0, %c0_i32 : i32, i32
  }
}

module attributes {stable_mosaic.version = 14 : i64} {
  func.func @_k2a_body(%arg0: memref<2048x128xf32, #tpu.memory_space<vmem>>, %arg1: memref<2048x1xf32, #tpu.memory_space<vmem>>, %arg2: memref<1x2048xf32, #tpu.memory_space<vmem>>, %arg3: memref<1x8xf32, #tpu.memory_space<vmem>>, %arg4: memref<1x2048xf32, #tpu.memory_space<vmem>>, %arg5: memref<2048x4xf32, #tpu.memory_space<vmem>>, %arg6: memref<1x128xi32, #tpu.memory_space<vmem>>) attributes {dimension_semantics = [], scalar_prefetch = 0 : i64, scratch_operands = 0 : i64, tpu.core_type = #tpu.core_type<tc>} {
    %get3A = arith.constant 0 : index
    %get3A_0 = arith.constant 0 : index
    %get3A_1 = vector.load %arg0[%get3A, %get3A_0] : memref<2048x128xf32, #tpu.memory_space<vmem>>, vector<2048x128xf32>
    %get3A_2 = arith.constant 0 : index
    %get3A_3 = arith.constant 0 : index
    %get3A_4 = vector.load %arg1[%get3A_2, %get3A_3] : memref<2048x1xf32, #tpu.memory_space<vmem>>, vector<2048x1xf32>
    %get3A_5 = arith.constant 0 : index
    %get3A_6 = arith.constant 0 : index
    %get3A_7 = vector.load %arg2[%get3A_5, %get3A_6] : memref<1x2048xf32, #tpu.memory_space<vmem>>, vector<1x2048xf32>
    %iota3A = tpu.iota {dimensions = array<i32: 0>} : vector<2048x2048xi32>
    %convert_element_type3A = arith.sitofp %iota3A : vector<2048x2048xi32> to vector<2048x2048xf32>
    %iota3A_8 = tpu.iota {dimensions = array<i32: 1>} : vector<2048x2048xi32>
    %convert_element_type3A_9 = arith.sitofp %iota3A_8 : vector<2048x2048xi32> to vector<2048x2048xf32>
    %lt3A = arith.cmpf olt, %convert_element_type3A_9, %convert_element_type3A : vector<2048x2048xf32>
    %eq3A = vector.broadcast %get3A_4 : vector<2048x1xf32> to vector<2048x2048xf32>
    %eq3A_10 = vector.broadcast %get3A_7 : vector<1x2048xf32> to vector<2048x2048xf32>
    %eq3A_11 = arith.cmpf oeq, %eq3A, %eq3A_10 : vector<2048x2048xf32>
    %and3A = arith.andi %lt3A, %eq3A_11 : vector<2048x2048xi1>
    %convert_element_type3A_12 = arith.extui %and3A : vector<2048x2048xi1> to vector<2048x2048xi32>
    %convert_element_type3A_13 = arith.sitofp %convert_element_type3A_12 : vector<2048x2048xi32> to vector<2048x2048xf32>
    %reduce_sum3A = arith.constant dense<0.000000e+00> : vector<2048xf32>
    %reduce_sum3A_14 = vector.multi_reduction <add>, %convert_element_type3A_13, %reduce_sum3A [1] : vector<2048x2048xf32> to vector<2048xf32>
    %broadcast_in_dim3A = vector.shape_cast %reduce_sum3A_14 : vector<2048xf32> to vector<2048x1xf32>
    %eq3A_15 = arith.constant 0.000000e+00 : f32
    %eq3A_16 = vector.broadcast %eq3A_15 : f32 to vector<2048x1xf32>
    %eq3A_17 = arith.cmpf oeq, %broadcast_in_dim3A, %eq3A_16 : vector<2048x1xf32>
    %convert_element_type3A_18 = arith.extui %eq3A_17 : vector<2048x1xi1> to vector<2048x1xi32>
    %convert_element_type3A_19 = arith.sitofp %convert_element_type3A_18 : vector<2048x1xi32> to vector<2048x1xf32>
    %slice3A = vector.extract_strided_slice %get3A_1 {offsets = [0, 0], sizes = [2048, 1], strides = [1, 1]} : vector<2048x128xf32> to vector<2048x1xf32>
    %logistic3A = arith.negf %slice3A : vector<2048x1xf32>
    %logistic3A_20 = math.exp %logistic3A : vector<2048x1xf32>
    %logistic3A_21 = arith.constant 1.000000e+00 : f32
    %logistic3A_22 = vector.broadcast %logistic3A_21 : f32 to vector<2048x1xf32>
    %logistic3A_23 = arith.addf %logistic3A_22, %logistic3A_20 : vector<2048x1xf32>
    %logistic3A_24 = arith.divf %logistic3A_22, %logistic3A_23 : vector<2048x1xf32>
    %slice3A_25 = vector.extract_strided_slice %get3A_1 {offsets = [0, 1], sizes = [2048, 8], strides = [1, 1]} : vector<2048x128xf32> to vector<2048x8xf32>
    %logistic3A_26 = arith.negf %slice3A_25 : vector<2048x8xf32>
    %logistic3A_27 = math.exp %logistic3A_26 : vector<2048x8xf32>
    %logistic3A_28 = arith.constant 1.000000e+00 : f32
    %logistic3A_29 = vector.broadcast %logistic3A_28 : f32 to vector<2048x8xf32>
    %logistic3A_30 = arith.addf %logistic3A_29, %logistic3A_27 : vector<2048x8xf32>
    %logistic3A_31 = arith.divf %logistic3A_29, %logistic3A_30 : vector<2048x8xf32>
    %get3A_32 = arith.constant 0 : index
    %get3A_33 = arith.constant 0 : index
    %get3A_34 = vector.load %arg3[%get3A_32, %get3A_33] : memref<1x8xf32, #tpu.memory_space<vmem>>, vector<1x8xf32>
    %add3A = vector.broadcast %get3A_34 : vector<1x8xf32> to vector<2048x8xf32>
    %add3A_35 = arith.addf %logistic3A_31, %add3A : vector<2048x8xf32>
    %slice3A_36 = vector.extract_strided_slice %add3A_35 {offsets = [0, 0], sizes = [2048, 1], strides = [1, 1]} : vector<2048x8xf32> to vector<2048x1xf32>
    %slice3A_37 = vector.extract_strided_slice %logistic3A_31 {offsets = [0, 0], sizes = [2048, 1], strides = [1, 1]} : vector<2048x8xf32> to vector<2048x1xf32>
    %broadcast_in_dim3A_38 = arith.constant 0.000000e+00 : f32
    %broadcast_in_dim3A_39 = vector.broadcast %broadcast_in_dim3A_38 : f32 to vector<2048x1xf32>
    %slice3A_40 = vector.extract_strided_slice %add3A_35 {offsets = [0, 1], sizes = [2048, 1], strides = [1, 1]} : vector<2048x8xf32> to vector<2048x1xf32>
    %gt3A = arith.cmpf ogt, %slice3A_40, %slice3A_36 : vector<2048x1xf32>
    %slice3A_41 = vector.extract_strided_slice %add3A_35 {offsets = [0, 1], sizes = [2048, 1], strides = [1, 1]} : vector<2048x8xf32> to vector<2048x1xf32>
    %select_n3A = arith.select %gt3A, %slice3A_41, %slice3A_36 : vector<2048x1xi1>, vector<2048x1xf32>
    %slice3A_42 = vector.extract_strided_slice %logistic3A_31 {offsets = [0, 1], sizes = [2048, 1], strides = [1, 1]} : vector<2048x8xf32> to vector<2048x1xf32>
    %select_n3A_43 = arith.select %gt3A, %slice3A_42, %slice3A_37 : vector<2048x1xi1>, vector<2048x1xf32>
    %jit3A = arith.constant 1.000000e+00 : f32
    %broadcast_in_dim3A_44 = vector.broadcast %jit3A : f32 to vector<2048x1xf32>
    %select_n3A_45 = arith.select %gt3A, %broadcast_in_dim3A_44, %broadcast_in_dim3A_39 : vector<2048x1xi1>, vector<2048x1xf32>
    %slice3A_46 = vector.extract_strided_slice %add3A_35 {offsets = [0, 2], sizes = [2048, 1], strides = [1, 1]} : vector<2048x8xf32> to vector<2048x1xf32>
    %gt3A_47 = arith.cmpf ogt, %slice3A_46, %select_n3A : vector<2048x1xf32>
    %slice3A_48 = vector.extract_strided_slice %add3A_35 {offsets = [0, 2], sizes = [2048, 1], strides = [1, 1]} : vector<2048x8xf32> to vector<2048x1xf32>
    %select_n3A_49 = arith.select %gt3A_47, %slice3A_48, %select_n3A : vector<2048x1xi1>, vector<2048x1xf32>
    %slice3A_50 = vector.extract_strided_slice %logistic3A_31 {offsets = [0, 2], sizes = [2048, 1], strides = [1, 1]} : vector<2048x8xf32> to vector<2048x1xf32>
    %select_n3A_51 = arith.select %gt3A_47, %slice3A_50, %select_n3A_43 : vector<2048x1xi1>, vector<2048x1xf32>
    %jit3A_52 = arith.constant 2.000000e+00 : f32
    %broadcast_in_dim3A_53 = vector.broadcast %jit3A_52 : f32 to vector<2048x1xf32>
    %select_n3A_54 = arith.select %gt3A_47, %broadcast_in_dim3A_53, %select_n3A_45 : vector<2048x1xi1>, vector<2048x1xf32>
    %slice3A_55 = vector.extract_strided_slice %add3A_35 {offsets = [0, 3], sizes = [2048, 1], strides = [1, 1]} : vector<2048x8xf32> to vector<2048x1xf32>
    %gt3A_56 = arith.cmpf ogt, %slice3A_55, %select_n3A_49 : vector<2048x1xf32>
    %slice3A_57 = vector.extract_strided_slice %add3A_35 {offsets = [0, 3], sizes = [2048, 1], strides = [1, 1]} : vector<2048x8xf32> to vector<2048x1xf32>
    %select_n3A_58 = arith.select %gt3A_56, %slice3A_57, %select_n3A_49 : vector<2048x1xi1>, vector<2048x1xf32>
    %slice3A_59 = vector.extract_strided_slice %logistic3A_31 {offsets = [0, 3], sizes = [2048, 1], strides = [1, 1]} : vector<2048x8xf32> to vector<2048x1xf32>
    %select_n3A_60 = arith.select %gt3A_56, %slice3A_59, %select_n3A_51 : vector<2048x1xi1>, vector<2048x1xf32>
    %jit3A_61 = arith.constant 3.000000e+00 : f32
    %broadcast_in_dim3A_62 = vector.broadcast %jit3A_61 : f32 to vector<2048x1xf32>
    %select_n3A_63 = arith.select %gt3A_56, %broadcast_in_dim3A_62, %select_n3A_54 : vector<2048x1xi1>, vector<2048x1xf32>
    %slice3A_64 = vector.extract_strided_slice %add3A_35 {offsets = [0, 4], sizes = [2048, 1], strides = [1, 1]} : vector<2048x8xf32> to vector<2048x1xf32>
    %gt3A_65 = arith.cmpf ogt, %slice3A_64, %select_n3A_58 : vector<2048x1xf32>
    %slice3A_66 = vector.extract_strided_slice %add3A_35 {offsets = [0, 4], sizes = [2048, 1], strides = [1, 1]} : vector<2048x8xf32> to vector<2048x1xf32>
    %select_n3A_67 = arith.select %gt3A_65, %slice3A_66, %select_n3A_58 : vector<2048x1xi1>, vector<2048x1xf32>
    %slice3A_68 = vector.extract_strided_slice %logistic3A_31 {offsets = [0, 4], sizes = [2048, 1], strides = [1, 1]} : vector<2048x8xf32> to vector<2048x1xf32>
    %select_n3A_69 = arith.select %gt3A_65, %slice3A_68, %select_n3A_60 : vector<2048x1xi1>, vector<2048x1xf32>
    %jit3A_70 = arith.constant 4.000000e+00 : f32
    %broadcast_in_dim3A_71 = vector.broadcast %jit3A_70 : f32 to vector<2048x1xf32>
    %select_n3A_72 = arith.select %gt3A_65, %broadcast_in_dim3A_71, %select_n3A_63 : vector<2048x1xi1>, vector<2048x1xf32>
    %slice3A_73 = vector.extract_strided_slice %add3A_35 {offsets = [0, 5], sizes = [2048, 1], strides = [1, 1]} : vector<2048x8xf32> to vector<2048x1xf32>
    %gt3A_74 = arith.cmpf ogt, %slice3A_73, %select_n3A_67 : vector<2048x1xf32>
    %slice3A_75 = vector.extract_strided_slice %add3A_35 {offsets = [0, 5], sizes = [2048, 1], strides = [1, 1]} : vector<2048x8xf32> to vector<2048x1xf32>
    %select_n3A_76 = arith.select %gt3A_74, %slice3A_75, %select_n3A_67 : vector<2048x1xi1>, vector<2048x1xf32>
    %slice3A_77 = vector.extract_strided_slice %logistic3A_31 {offsets = [0, 5], sizes = [2048, 1], strides = [1, 1]} : vector<2048x8xf32> to vector<2048x1xf32>
    %select_n3A_78 = arith.select %gt3A_74, %slice3A_77, %select_n3A_69 : vector<2048x1xi1>, vector<2048x1xf32>
    %jit3A_79 = arith.constant 5.000000e+00 : f32
    %broadcast_in_dim3A_80 = vector.broadcast %jit3A_79 : f32 to vector<2048x1xf32>
    %select_n3A_81 = arith.select %gt3A_74, %broadcast_in_dim3A_80, %select_n3A_72 : vector<2048x1xi1>, vector<2048x1xf32>
    %slice3A_82 = vector.extract_strided_slice %add3A_35 {offsets = [0, 6], sizes = [2048, 1], strides = [1, 1]} : vector<2048x8xf32> to vector<2048x1xf32>
    %gt3A_83 = arith.cmpf ogt, %slice3A_82, %select_n3A_76 : vector<2048x1xf32>
    %slice3A_84 = vector.extract_strided_slice %add3A_35 {offsets = [0, 6], sizes = [2048, 1], strides = [1, 1]} : vector<2048x8xf32> to vector<2048x1xf32>
    %select_n3A_85 = arith.select %gt3A_83, %slice3A_84, %select_n3A_76 : vector<2048x1xi1>, vector<2048x1xf32>
    %slice3A_86 = vector.extract_strided_slice %logistic3A_31 {offsets = [0, 6], sizes = [2048, 1], strides = [1, 1]} : vector<2048x8xf32> to vector<2048x1xf32>
    %select_n3A_87 = arith.select %gt3A_83, %slice3A_86, %select_n3A_78 : vector<2048x1xi1>, vector<2048x1xf32>
    %jit3A_88 = arith.constant 6.000000e+00 : f32
    %broadcast_in_dim3A_89 = vector.broadcast %jit3A_88 : f32 to vector<2048x1xf32>
    %select_n3A_90 = arith.select %gt3A_83, %broadcast_in_dim3A_89, %select_n3A_81 : vector<2048x1xi1>, vector<2048x1xf32>
    %slice3A_91 = vector.extract_strided_slice %add3A_35 {offsets = [0, 7], sizes = [2048, 1], strides = [1, 1]} : vector<2048x8xf32> to vector<2048x1xf32>
    %gt3A_92 = arith.cmpf ogt, %slice3A_91, %select_n3A_85 : vector<2048x1xf32>
    %slice3A_93 = vector.extract_strided_slice %logistic3A_31 {offsets = [0, 7], sizes = [2048, 1], strides = [1, 1]} : vector<2048x8xf32> to vector<2048x1xf32>
    %select_n3A_94 = arith.select %gt3A_92, %slice3A_93, %select_n3A_87 : vector<2048x1xi1>, vector<2048x1xf32>
    %jit3A_95 = arith.constant 7.000000e+00 : f32
    %broadcast_in_dim3A_96 = vector.broadcast %jit3A_95 : f32 to vector<2048x1xf32>
    %select_n3A_97 = arith.select %gt3A_92, %broadcast_in_dim3A_96, %select_n3A_90 : vector<2048x1xi1>, vector<2048x1xf32>
    %sub3A = arith.subf %logistic3A_24, %select_n3A_94 : vector<2048x1xf32>
    %logistic3A_98 = arith.negf %sub3A : vector<2048x1xf32>
    %logistic3A_99 = math.exp %logistic3A_98 : vector<2048x1xf32>
    %logistic3A_100 = arith.constant 1.000000e+00 : f32
    %logistic3A_101 = vector.broadcast %logistic3A_100 : f32 to vector<2048x1xf32>
    %logistic3A_102 = arith.addf %logistic3A_101, %logistic3A_99 : vector<2048x1xf32>
    %logistic3A_103 = arith.divf %logistic3A_101, %logistic3A_102 : vector<2048x1xf32>
    %sub3A_104 = arith.constant 1.000000e+00 : f32
    %sub3A_105 = vector.broadcast %sub3A_104 : f32 to vector<2048x1xf32>
    %sub3A_106 = arith.subf %sub3A_105, %logistic3A_103 : vector<2048x1xf32>
    %iota3A_107 = tpu.iota {dimensions = array<i32: 1>} : vector<2048x8xi32>
    %convert_element_type3A_108 = arith.sitofp %iota3A_107 : vector<2048x8xi32> to vector<2048x8xf32>
    %eq3A_109 = vector.broadcast %select_n3A_97 : vector<2048x1xf32> to vector<2048x8xf32>
    %eq3A_110 = arith.cmpf oeq, %eq3A_109, %convert_element_type3A_108 : vector<2048x8xf32>
    %convert_element_type3A_111 = arith.extui %eq3A_110 : vector<2048x8xi1> to vector<2048x8xi32>
    %convert_element_type3A_112 = arith.sitofp %convert_element_type3A_111 : vector<2048x8xi32> to vector<2048x8xf32>
    %mul3A = vector.broadcast %convert_element_type3A_19 : vector<2048x1xf32> to vector<2048x8xf32>
    %mul3A_113 = arith.mulf %convert_element_type3A_112, %mul3A : vector<2048x8xf32>
    %reduce_sum3A_114 = arith.constant dense<0.000000e+00> : vector<8xf32>
    %reduce_sum3A_115 = vector.multi_reduction <add>, %mul3A_113, %reduce_sum3A_114 [0] : vector<2048x8xf32> to vector<8xf32>
    %broadcast_in_dim3A_116 = vector.shape_cast %reduce_sum3A_115 : vector<8xf32> to vector<1x8xf32>
    %add3A_117 = arith.constant 1.270000e+02 : f32
    %add3A_118 = vector.broadcast %add3A_117 : f32 to vector<1x8xf32>
    %add3A_119 = arith.addf %broadcast_in_dim3A_116, %add3A_118 : vector<1x8xf32>
    %div3A = arith.constant 1.280000e+02 : f32
    %div3A_120 = vector.broadcast %div3A : f32 to vector<1x8xf32>
    %div3A_121 = arith.divf %add3A_119, %div3A_120 : vector<1x8xf32>
    %floor3A = math.floor %div3A_121 : vector<1x8xf32>
    %mul3A_122 = arith.constant 1.280000e+02 : f32
    %mul3A_123 = vector.broadcast %mul3A_122 : f32 to vector<1x8xf32>
    %mul3A_124 = arith.mulf %floor3A, %mul3A_123 : vector<1x8xf32>
    %iota3A_125 = tpu.iota {dimensions = array<i32: 0>} : vector<8x8xi32>
    %convert_element_type3A_126 = arith.sitofp %iota3A_125 : vector<8x8xi32> to vector<8x8xf32>
    %iota3A_127 = tpu.iota {dimensions = array<i32: 1>} : vector<8x8xi32>
    %convert_element_type3A_128 = arith.sitofp %iota3A_127 : vector<8x8xi32> to vector<8x8xf32>
    %lt3A_129 = arith.cmpf olt, %convert_element_type3A_126, %convert_element_type3A_128 : vector<8x8xf32>
    %convert_element_type3A_130 = arith.extui %lt3A_129 : vector<8x8xi1> to vector<8x8xi32>
    %convert_element_type3A_131 = arith.sitofp %convert_element_type3A_130 : vector<8x8xi32> to vector<8x8xf32>
    %dot_general3A = arith.constant dense<0.000000e+00> : vector<1x8xf32>
    %dot_general3A_132 = tpu.matmul %mul3A_124, %convert_element_type3A_131, %dot_general3A {dimension_numbers = #tpu.dot_dimension_numbers<[1], [0], [0], [1], [0, 0, 1, 1], [], []>, precision = #tpu.contract_precision<fp32>, transpose_lhs_hint = false} : vector<1x8xf32>, vector<8x8xf32>, vector<1x8xf32> -> vector<1x8xf32>
    %lt3A_133 = arith.cmpf olt, %convert_element_type3A_9, %convert_element_type3A : vector<2048x2048xf32>
    %convert_element_type3A_134 = arith.extui %lt3A_133 : vector<2048x2048xi1> to vector<2048x2048xi32>
    %convert_element_type3A_135 = arith.sitofp %convert_element_type3A_134 : vector<2048x2048xi32> to vector<2048x2048xf32>
    %dot_general3A_136 = arith.constant dense<0.000000e+00> : vector<2048x8xf32>
    %dot_general3A_137 = tpu.matmul %convert_element_type3A_135, %mul3A_113, %dot_general3A_136 {dimension_numbers = #tpu.dot_dimension_numbers<[1], [0], [0], [1], [0, 0, 1, 1], [], []>, precision = #tpu.contract_precision<fp32>, transpose_lhs_hint = false} : vector<2048x2048xf32>, vector<2048x8xf32>, vector<2048x8xf32> -> vector<2048x8xf32>
    %mul3A_138 = arith.mulf %dot_general3A_137, %convert_element_type3A_112 : vector<2048x8xf32>
    %reduce_sum3A_139 = arith.constant dense<0.000000e+00> : vector<2048xf32>
    %reduce_sum3A_140 = vector.multi_reduction <add>, %mul3A_138, %reduce_sum3A_139 [1] : vector<2048x8xf32> to vector<2048xf32>
    %broadcast_in_dim3A_141 = vector.shape_cast %reduce_sum3A_140 : vector<2048xf32> to vector<2048x1xf32>
    %mul3A_142 = vector.broadcast %dot_general3A_132 : vector<1x8xf32> to vector<2048x8xf32>
    %mul3A_143 = arith.mulf %convert_element_type3A_112, %mul3A_142 : vector<2048x8xf32>
    %reduce_sum3A_144 = arith.constant dense<0.000000e+00> : vector<2048xf32>
    %reduce_sum3A_145 = vector.multi_reduction <add>, %mul3A_143, %reduce_sum3A_144 [1] : vector<2048x8xf32> to vector<2048xf32>
    %broadcast_in_dim3A_146 = vector.shape_cast %reduce_sum3A_145 : vector<2048xf32> to vector<2048x1xf32>
    %add3A_147 = arith.addf %broadcast_in_dim3A_146, %broadcast_in_dim3A_141 : vector<2048x1xf32>
    %gt3A_148 = arith.constant 0.000000e+00 : f32
    %gt3A_149 = vector.broadcast %gt3A_148 : f32 to vector<2048x1xf32>
    %gt3A_150 = arith.cmpf ogt, %convert_element_type3A_19, %gt3A_149 : vector<2048x1xf32>
    %jit3A_151 = arith.constant -1.000000e+00 : f32
    %broadcast_in_dim3A_152 = vector.broadcast %jit3A_151 : f32 to vector<2048x1xf32>
    %select_n3A_153 = arith.select %gt3A_150, %add3A_147, %broadcast_in_dim3A_152 : vector<2048x1xi1>, vector<2048x1xf32>
    %iota3A_154 = tpu.iota {dimensions = array<i32: 0>} : vector<2048x8xi32>
    %convert_element_type3A_155 = arith.sitofp %iota3A_154 : vector<2048x8xi32> to vector<2048x8xf32>
    %gt3A_156 = arith.constant 0.000000e+00 : f32
    %gt3A_157 = vector.broadcast %gt3A_156 : f32 to vector<2048x8xf32>
    %gt3A_158 = arith.cmpf ogt, %mul3A_113, %gt3A_157 : vector<2048x8xf32>
    %jit3A_159 = arith.constant 2.048000e+03 : f32
    %broadcast_in_dim3A_160 = vector.broadcast %jit3A_159 : f32 to vector<2048x8xf32>
    %select_n3A_161 = arith.select %gt3A_158, %convert_element_type3A_155, %broadcast_in_dim3A_160 : vector<2048x8xi1>, vector<2048x8xf32>
    %reduce_min3A = arith.constant dense<0x7F800000> : vector<8xf32>
    %reduce_min3A_162 = vector.multi_reduction <minimumf>, %select_n3A_161, %reduce_min3A [0] : vector<2048x8xf32> to vector<8xf32>
    %broadcast_in_dim3A_163 = vector.shape_cast %reduce_min3A_162 : vector<8xf32> to vector<1x8xf32>
    %iota3A_164 = tpu.iota {dimensions = array<i32: 1>} : vector<1x8xi32>
    %convert_element_type3A_165 = arith.sitofp %iota3A_164 : vector<1x8xi32> to vector<1x8xf32>
    %gt3A_166 = arith.constant 0.000000e+00 : f32
    %gt3A_167 = vector.broadcast %gt3A_166 : f32 to vector<1x8xf32>
    %gt3A_168 = arith.cmpf ogt, %broadcast_in_dim3A_116, %gt3A_167 : vector<1x8xf32>
    %jit3A_169 = arith.constant 8.000000e+00 : f32
    %broadcast_in_dim3A_170 = vector.broadcast %jit3A_169 : f32 to vector<1x8xf32>
    %select_n3A_171 = arith.select %gt3A_168, %convert_element_type3A_165, %broadcast_in_dim3A_170 : vector<1x8xi1>, vector<1x8xf32>
    %reduce_min3A_172 = arith.constant dense<0x7F800000> : vector<1xf32>
    %reduce_min3A_173 = vector.multi_reduction <minimumf>, %select_n3A_171, %reduce_min3A_172 [1] : vector<1x8xf32> to vector<1xf32>
    %broadcast_in_dim3A_174 = vector.shape_cast %reduce_min3A_173 : vector<1xf32> to vector<1x1xf32>
    %gt3A_175 = arith.constant 0.000000e+00 : f32
    %gt3A_176 = vector.broadcast %gt3A_175 : f32 to vector<1x8xf32>
    %gt3A_177 = arith.cmpf ogt, %broadcast_in_dim3A_116, %gt3A_176 : vector<1x8xf32>
    %jit3A_178 = arith.constant -1.000000e+00 : f32
    %broadcast_in_dim3A_179 = vector.broadcast %jit3A_178 : f32 to vector<1x8xf32>
    %select_n3A_180 = arith.select %gt3A_177, %convert_element_type3A_165, %broadcast_in_dim3A_179 : vector<1x8xi1>, vector<1x8xf32>
    %reduce_max3A = arith.constant dense<0xFF800000> : vector<1xf32>
    %reduce_max3A_181 = vector.multi_reduction <maximumf>, %select_n3A_180, %reduce_max3A [1] : vector<1x8xf32> to vector<1xf32>
    %broadcast_in_dim3A_182 = vector.shape_cast %reduce_max3A_181 : vector<1xf32> to vector<1x1xf32>
    %reduce_sum3A_183 = arith.constant dense<0.000000e+00> : vector<1xf32>
    %reduce_sum3A_184 = vector.multi_reduction <add>, %mul3A_124, %reduce_sum3A_183 [1] : vector<1x8xf32> to vector<1xf32>
    %broadcast_in_dim3A_185 = vector.shape_cast %reduce_sum3A_184 : vector<1xf32> to vector<1x1xf32>
    %div3A_186 = arith.constant 1.280000e+02 : f32
    %div3A_187 = vector.broadcast %div3A_186 : f32 to vector<1x1xf32>
    %div3A_188 = arith.divf %broadcast_in_dim3A_185, %div3A_187 : vector<1x1xf32>
    %iota3A_189 = tpu.iota {dimensions = array<i32: 0>} : vector<24x1xi32>
    %convert_element_type3A_190 = arith.sitofp %iota3A_189 : vector<24x1xi32> to vector<24x1xf32>
    %mul3A_191 = arith.constant 1.280000e+02 : f32
    %mul3A_192 = vector.broadcast %mul3A_191 : f32 to vector<24x1xf32>
    %mul3A_193 = arith.mulf %convert_element_type3A_190, %mul3A_192 : vector<24x1xf32>
    %le3A = vector.broadcast %dot_general3A_132 : vector<1x8xf32> to vector<24x8xf32>
    %le3A_194 = vector.broadcast %mul3A_193 : vector<24x1xf32> to vector<24x8xf32>
    %le3A_195 = arith.cmpf ole, %le3A, %le3A_194 : vector<24x8xf32>
    %gt3A_196 = arith.constant 0.000000e+00 : f32
    %gt3A_197 = vector.broadcast %gt3A_196 : f32 to vector<1x8xf32>
    %gt3A_198 = arith.cmpf ogt, %mul3A_124, %gt3A_197 : vector<1x8xf32>
    %and3A_199 = vector.broadcast %gt3A_198 : vector<1x8xi1> to vector<24x8xi1>
    %and3A_200 = arith.andi %le3A_195, %and3A_199 : vector<24x8xi1>
    %iota3A_201 = tpu.iota {dimensions = array<i32: 1>} : vector<24x8xi32>
    %convert_element_type3A_202 = arith.sitofp %iota3A_201 : vector<24x8xi32> to vector<24x8xf32>
    %jit3A_203 = arith.constant -1.000000e+00 : f32
    %broadcast_in_dim3A_204 = vector.broadcast %jit3A_203 : f32 to vector<24x8xf32>
    %select_n3A_205 = arith.select %and3A_200, %convert_element_type3A_202, %broadcast_in_dim3A_204 : vector<24x8xi1>, vector<24x8xf32>
    %reduce_max3A_206 = arith.constant dense<0xFF800000> : vector<24xf32>
    %reduce_max3A_207 = vector.multi_reduction <maximumf>, %select_n3A_205, %reduce_max3A_206 [1] : vector<24x8xf32> to vector<24xf32>
    %broadcast_in_dim3A_208 = vector.shape_cast %reduce_max3A_207 : vector<24xf32> to vector<24x1xf32>
    %ge3A = vector.broadcast %broadcast_in_dim3A_185 : vector<1x1xf32> to vector<24x1xf32>
    %ge3A_209 = arith.cmpf oge, %mul3A_193, %ge3A : vector<24x1xf32>
    %broadcast_in_dim3A_210 = vector.shape_cast %broadcast_in_dim3A_182 : vector<1x1xf32> to vector<1x1xf32>
    %broadcast_in_dim3A_211 = vector.broadcast %broadcast_in_dim3A_210 : vector<1x1xf32> to vector<24x1xf32>
    %select_n3A_212 = arith.select %ge3A_209, %broadcast_in_dim3A_211, %broadcast_in_dim3A_208 : vector<24x1xi1>, vector<24x1xf32>
    %gt3A_213 = arith.constant 0.000000e+00 : f32
    %gt3A_214 = vector.broadcast %gt3A_213 : f32 to vector<2048x1xf32>
    %gt3A_215 = arith.cmpf ogt, %convert_element_type3A_19, %gt3A_214 : vector<2048x1xf32>
    %jit3A_216 = arith.constant 0.000000e+00 : f32
    %broadcast_in_dim3A_217 = vector.broadcast %jit3A_216 : f32 to vector<2048x1xf32>
    %select_n3A_218 = arith.select %gt3A_215, %select_n3A_153, %broadcast_in_dim3A_217 : vector<2048x1xi1>, vector<2048x1xf32>
    %mul3A_219 = arith.mulf %logistic3A_103, %convert_element_type3A_19 : vector<2048x1xf32>
    %mul3A_220 = arith.mulf %sub3A_106, %convert_element_type3A_19 : vector<2048x1xf32>
    %concatenate3A = tpu.concatenate %select_n3A_218, %mul3A_219, %mul3A_220, %convert_element_type3A_19 in 1 : vector<2048x1xf32>, vector<2048x1xf32>, vector<2048x1xf32>, vector<2048x1xf32> -> vector<2048x4xf32>
    %swap3A = arith.constant 0 : index
    %swap3A_221 = arith.constant 0 : index
    %swap3A_222 = vector.load %arg5[%swap3A, %swap3A_221] : memref<2048x4xf32, #tpu.memory_space<vmem>>, vector<2048x4xf32>
    tpu.vector_store %arg5[%swap3A, %swap3A_221], %concatenate3A {strides = array<i32>} : memref<2048x4xf32, #tpu.memory_space<vmem>>, vector<2048x4xf32>,
    %broadcast_in_dim3A_223 = arith.constant 0.000000e+00 : f32
    %broadcast_in_dim3A_224 = vector.broadcast %broadcast_in_dim3A_223 : f32 to vector<2024x1xf32>
    %concatenate3A_225 = tpu.concatenate %select_n3A_212, %broadcast_in_dim3A_224 in 0 : vector<24x1xf32>, vector<2024x1xf32> -> vector<2048x1xf32>
    %concatenate3A_226 = tpu.concatenate %select_n3A_153, %concatenate3A_225 in 1 : vector<2048x1xf32>, vector<2048x1xf32> -> vector<2048x2xf32>
    %transpose3A = tpu.transpose %concatenate3A_226, [1, 0] : vector<2048x2xf32> -> vector<2x2048xf32>
    %slice3A_227 = vector.extract_strided_slice %transpose3A {offsets = [0, 0], sizes = [1, 2048], strides = [1, 1]} : vector<2x2048xf32> to vector<1x2048xf32>
    %swap3A_228 = arith.constant 0 : index
    %swap3A_229 = arith.constant 0 : index
    %swap3A_230 = vector.load %arg4[%swap3A_228, %swap3A_229] : memref<1x2048xf32, #tpu.memory_space<vmem>>, vector<1x2048xf32>
    tpu.vector_store %arg4[%swap3A_228, %swap3A_229], %slice3A_227 {strides = array<i32>} : memref<1x2048xf32, #tpu.memory_space<vmem>>, vector<1x2048xf32>,
    %slice3A_231 = vector.extract_strided_slice %transpose3A {offsets = [1, 0], sizes = [1, 24], strides = [1, 1]} : vector<2x2048xf32> to vector<1x24xf32>
    %broadcast_in_dim3A_232 = arith.constant 0.000000e+00 : f32
    %broadcast_in_dim3A_233 = vector.broadcast %broadcast_in_dim3A_232 : f32 to vector<1x68xf32>
    %concatenate3A_234 = tpu.concatenate %broadcast_in_dim3A_116, %mul3A_124, %dot_general3A_132, %broadcast_in_dim3A_163, %slice3A_231, %broadcast_in_dim3A_174, %broadcast_in_dim3A_185, %div3A_188, %broadcast_in_dim3A_182, %broadcast_in_dim3A_233 in 1 : vector<1x8xf32>, vector<1x8xf32>, vector<1x8xf32>, vector<1x8xf32>, vector<1x24xf32>, vector<1x1xf32>, vector<1x1xf32>, vector<1x1xf32>, vector<1x1xf32>, vector<1x68xf32> -> vector<1x128xf32>
    %convert_element_type3A_235 = arith.fptosi %concatenate3A_234 : vector<1x128xf32> to vector<1x128xi32>
    %swap3A_236 = arith.constant 0 : index
    %swap3A_237 = arith.constant 0 : index
    %swap3A_238 = vector.load %arg6[%swap3A_236, %swap3A_237] : memref<1x128xi32, #tpu.memory_space<vmem>>, vector<1x128xi32>
    tpu.vector_store %arg6[%swap3A_236, %swap3A_237], %convert_element_type3A_235 {strides = array<i32>} : memref<1x128xi32, #tpu.memory_space<vmem>>, vector<1x128xi32>,
    return
  }
}

module attributes {stable_mosaic.version = 14 : i64} {
  func.func @_k1s_body(%arg0: i32, %arg1: memref<512x1024xf32, #tpu.memory_space<vmem>>, %arg2: memref<1024x1024xf32, #tpu.memory_space<vmem>>, %arg3: memref<1024xf32, #tpu.memory_space<vmem>>, %arg4: memref<1024x1024xf32, #tpu.memory_space<vmem>>, %arg5: memref<1024xf32, #tpu.memory_space<vmem>>, %arg6: memref<1024xf32, #tpu.memory_space<vmem>>, %arg7: memref<1024xf32, #tpu.memory_space<vmem>>, %arg8: memref<1024x1024xf32, #tpu.memory_space<vmem>>, %arg9: memref<1024xf32, #tpu.memory_space<vmem>>, %arg10: memref<512x1024xf32, #tpu.memory_space<vmem>>) attributes {dimension_semantics = [#tpu.dimension_semantics<arbitrary>], iteration_bounds = array<i64: 8>, scalar_prefetch = 0 : i64, scratch_operands = 0 : i64, tpu.core_type = #tpu.core_type<tc>, window_params = [{transform_indices = @transform_0, window_bounds = array<i64: 512, 1024>}, {pipeline_mode = #tpu.pipeline_mode<synchronous>, transform_indices = @transform_1, window_bounds = array<i64: 1024, 1024>}, {pipeline_mode = #tpu.pipeline_mode<synchronous>, transform_indices = @transform_2, window_bounds = array<i64: 1024>}, {pipeline_mode = #tpu.pipeline_mode<synchronous>, transform_indices = @transform_3, window_bounds = array<i64: 1024, 1024>}, {pipeline_mode = #tpu.pipeline_mode<synchronous>, transform_indices = @transform_4, window_bounds = array<i64: 1024>}, {pipeline_mode = #tpu.pipeline_mode<synchronous>, transform_indices = @transform_5, window_bounds = array<i64: 1024>}, {pipeline_mode = #tpu.pipeline_mode<synchronous>, transform_indices = @transform_6, window_bounds = array<i64: 1024>}, {pipeline_mode = #tpu.pipeline_mode<synchronous>, transform_indices = @transform_7, window_bounds = array<i64: 1024, 1024>}, {pipeline_mode = #tpu.pipeline_mode<synchronous>, transform_indices = @transform_8, window_bounds = array<i64: 1024>}, {transform_indices = @transform_9, window_bounds = array<i64: 512, 1024>}]} {
    %get3A = arith.constant 0 : index
    %get3A_0 = arith.constant 0 : index
    %get3A_1 = vector.load %arg1[%get3A, %get3A_0] : memref<512x1024xf32, #tpu.memory_space<vmem>>, vector<512x1024xf32>
    %get3A_2 = arith.constant 0 : index
    %get3A_3 = arith.constant 0 : index
    %get3A_4 = vector.load %arg2[%get3A_2, %get3A_3] : memref<1024x1024xf32, #tpu.memory_space<vmem>>, vector<1024x1024xf32>
    %get3A_5 = arith.constant 0 : index
    %get3A_6 = vector.load %arg3[%get3A_5] : memref<1024xf32, #tpu.memory_space<vmem>>, vector<1024xf32>
    %broadcast_in_dim3A = vector.shape_cast %get3A_6 : vector<1024xf32> to vector<1x1024xf32>
    %get3A_7 = arith.constant 0 : index
    %get3A_8 = arith.constant 0 : index
    %get3A_9 = vector.load %arg4[%get3A_7, %get3A_8] : memref<1024x1024xf32, #tpu.memory_space<vmem>>, vector<1024x1024xf32>
    %get3A_10 = arith.constant 0 : index
    %get3A_11 = vector.load %arg5[%get3A_10] : memref<1024xf32, #tpu.memory_space<vmem>>, vector<1024xf32>
    %broadcast_in_dim3A_12 = vector.shape_cast %get3A_11 : vector<1024xf32> to vector<1x1024xf32>
    %get3A_13 = arith.constant 0 : index
    %get3A_14 = vector.load %arg6[%get3A_13] : memref<1024xf32, #tpu.memory_space<vmem>>, vector<1024xf32>
    %broadcast_in_dim3A_15 = vector.shape_cast %get3A_14 : vector<1024xf32> to vector<1x1024xf32>
    %get3A_16 = arith.constant 0 : index
    %get3A_17 = vector.load %arg7[%get3A_16] : memref<1024xf32, #tpu.memory_space<vmem>>, vector<1024xf32>
    %broadcast_in_dim3A_18 = vector.shape_cast %get3A_17 : vector<1024xf32> to vector<1x1024xf32>
    %dot_general3A = arith.constant dense<0.000000e+00> : vector<512x1024xf32>
    %dot_general3A_19 = tpu.matmul %get3A_1, %get3A_4, %dot_general3A {dimension_numbers = #tpu.dot_dimension_numbers<[1], [1], [0], [0], [0, 0, 1, 0], [], []>, transpose_lhs_hint = false} : vector<512x1024xf32>, vector<1024x1024xf32>, vector<512x1024xf32> -> vector<512x1024xf32>
    %add3A = vector.broadcast %broadcast_in_dim3A : vector<1x1024xf32> to vector<512x1024xf32>
    %add3A_20 = arith.addf %dot_general3A_19, %add3A : vector<512x1024xf32>
    %dot_general3A_21 = arith.constant dense<0.000000e+00> : vector<512x1024xf32>
    %dot_general3A_22 = tpu.matmul %get3A_1, %get3A_9, %dot_general3A_21 {dimension_numbers = #tpu.dot_dimension_numbers<[1], [1], [0], [0], [0, 0, 1, 0], [], []>, transpose_lhs_hint = false} : vector<512x1024xf32>, vector<1024x1024xf32>, vector<512x1024xf32> -> vector<512x1024xf32>
    %add3A_23 = vector.broadcast %broadcast_in_dim3A_12 : vector<1x1024xf32> to vector<512x1024xf32>
    %add3A_24 = arith.addf %dot_general3A_22, %add3A_23 : vector<512x1024xf32>
    %logistic3A = arith.negf %add3A_20 : vector<512x1024xf32>
    %logistic3A_25 = math.exp %logistic3A : vector<512x1024xf32>
    %logistic3A_26 = arith.constant 1.000000e+00 : f32
    %logistic3A_27 = vector.broadcast %logistic3A_26 : f32 to vector<512x1024xf32>
    %logistic3A_28 = arith.addf %logistic3A_27, %logistic3A_25 : vector<512x1024xf32>
    %logistic3A_29 = arith.divf %logistic3A_27, %logistic3A_28 : vector<512x1024xf32>
    %mul3A = arith.mulf %add3A_20, %logistic3A_29 : vector<512x1024xf32>
    %mul3A_30 = arith.mulf %mul3A, %add3A_24 : vector<512x1024xf32>
    %reduce_sum3A = arith.constant dense<0.000000e+00> : vector<512xf32>
    %reduce_sum3A_31 = vector.multi_reduction <add>, %mul3A_30, %reduce_sum3A [1] : vector<512x1024xf32> to vector<512xf32>
    %broadcast_in_dim3A_32 = vector.shape_cast %reduce_sum3A_31 : vector<512xf32> to vector<512x1xf32>
    %div3A = arith.constant 1.024000e+03 : f32
    %div3A_33 = vector.broadcast %div3A : f32 to vector<512x1xf32>
    %div3A_34 = arith.divf %broadcast_in_dim3A_32, %div3A_33 : vector<512x1xf32>
    %sub3A = vector.broadcast %div3A_34 : vector<512x1xf32> to vector<512x1024xf32>
    %sub3A_35 = arith.subf %mul3A_30, %sub3A : vector<512x1024xf32>
    %integer_pow3A = arith.mulf %sub3A_35, %sub3A_35 : vector<512x1024xf32>
    %reduce_sum3A_36 = arith.constant dense<0.000000e+00> : vector<512xf32>
    %reduce_sum3A_37 = vector.multi_reduction <add>, %integer_pow3A, %reduce_sum3A_36 [1] : vector<512x1024xf32> to vector<512xf32>
    %broadcast_in_dim3A_38 = vector.shape_cast %reduce_sum3A_37 : vector<512xf32> to vector<512x1xf32>
    %div3A_39 = arith.constant 1.024000e+03 : f32
    %div3A_40 = vector.broadcast %div3A_39 : f32 to vector<512x1xf32>
    %div3A_41 = arith.divf %broadcast_in_dim3A_38, %div3A_40 : vector<512x1xf32>
    %sub3A_42 = vector.broadcast %div3A_34 : vector<512x1xf32> to vector<512x1024xf32>
    %sub3A_43 = arith.subf %mul3A_30, %sub3A_42 : vector<512x1024xf32>
    %add3A_44 = arith.constant 9.99999974E-6 : f32
    %add3A_45 = vector.broadcast %add3A_44 : f32 to vector<512x1xf32>
    %add3A_46 = arith.addf %div3A_41, %add3A_45 : vector<512x1xf32>
    %sqrt3A = math.sqrt %add3A_46 : vector<512x1xf32>
    %div3A_47 = vector.broadcast %sqrt3A : vector<512x1xf32> to vector<512x1024xf32>
    %div3A_48 = arith.divf %sub3A_43, %div3A_47 : vector<512x1024xf32>
    %mul3A_49 = vector.broadcast %broadcast_in_dim3A_15 : vector<1x1024xf32> to vector<512x1024xf32>
    %mul3A_50 = arith.mulf %div3A_48, %mul3A_49 : vector<512x1024xf32>
    %add3A_51 = vector.broadcast %broadcast_in_dim3A_18 : vector<1x1024xf32> to vector<512x1024xf32>
    %add3A_52 = arith.addf %mul3A_50, %add3A_51 : vector<512x1024xf32>
    %get3A_53 = arith.constant 0 : index
    %get3A_54 = arith.constant 0 : index
    %get3A_55 = vector.load %arg8[%get3A_53, %get3A_54] : memref<1024x1024xf32, #tpu.memory_space<vmem>>, vector<1024x1024xf32>
    %dot_general3A_56 = arith.constant dense<0.000000e+00> : vector<512x1024xf32>
    %dot_general3A_57 = tpu.matmul %add3A_52, %get3A_55, %dot_general3A_56 {dimension_numbers = #tpu.dot_dimension_numbers<[1], [1], [0], [0], [0, 0, 1, 0], [], []>, transpose_lhs_hint = false} : vector<512x1024xf32>, vector<1024x1024xf32>, vector<512x1024xf32> -> vector<512x1024xf32>
    %get3A_58 = arith.constant 0 : index
    %get3A_59 = vector.load %arg9[%get3A_58] : memref<1024xf32, #tpu.memory_space<vmem>>, vector<1024xf32>
    %broadcast_in_dim3A_60 = vector.shape_cast %get3A_59 : vector<1024xf32> to vector<1x1024xf32>
    %add3A_61 = vector.broadcast %broadcast_in_dim3A_60 : vector<1x1024xf32> to vector<512x1024xf32>
    %add3A_62 = arith.addf %dot_general3A_57, %add3A_61 : vector<512x1024xf32>
    %swap3A = arith.constant 0 : index
    %swap3A_63 = arith.constant 0 : index
    %swap3A_64 = vector.load %arg10[%swap3A, %swap3A_63] : memref<512x1024xf32, #tpu.memory_space<vmem>>, vector<512x1024xf32>
    tpu.vector_store %arg10[%swap3A, %swap3A_63], %add3A_62 {strides = array<i32>} : memref<512x1024xf32, #tpu.memory_space<vmem>>, vector<512x1024xf32>,
    return
  }
  func.func @transform_0(%arg0: i32) -> (i32, i32) {
    %c0_i32 = arith.constant 0 : i32
    %c0_i32_0 = arith.constant 0 : i32
    return %arg0, %c0_i32 : i32, i32
  }
  func.func @transform_1(%arg0: i32) -> (i32, i32) {
    %c0_i32 = arith.constant 0 : i32
    %c0_i32_0 = arith.constant 0 : i32
    %c0_i32_1 = arith.constant 0 : i32
    return %c0_i32, %c0_i32_0 : i32, i32
  }
  func.func @transform_2(%arg0: i32) -> i32 {
    %c0_i32 = arith.constant 0 : i32
    %c0_i32_0 = arith.constant 0 : i32
    return %c0_i32 : i32
  }
  func.func @transform_3(%arg0: i32) -> (i32, i32) {
    %c0_i32 = arith.constant 0 : i32
    %c0_i32_0 = arith.constant 0 : i32
    %c0_i32_1 = arith.constant 0 : i32
    return %c0_i32, %c0_i32_0 : i32, i32
  }
  func.func @transform_4(%arg0: i32) -> i32 {
    %c0_i32 = arith.constant 0 : i32
    %c0_i32_0 = arith.constant 0 : i32
    return %c0_i32 : i32
  }
  func.func @transform_5(%arg0: i32) -> i32 {
    %c0_i32 = arith.constant 0 : i32
    %c0_i32_0 = arith.constant 0 : i32
    return %c0_i32 : i32
  }
  func.func @transform_6(%arg0: i32) -> i32 {
    %c0_i32 = arith.constant 0 : i32
    %c0_i32_0 = arith.constant 0 : i32
    return %c0_i32 : i32
  }
  func.func @transform_7(%arg0: i32) -> (i32, i32) {
    %c0_i32 = arith.constant 0 : i32
    %c0_i32_0 = arith.constant 0 : i32
    %c0_i32_1 = arith.constant 0 : i32
    return %c0_i32, %c0_i32_0 : i32, i32
  }
  func.func @transform_8(%arg0: i32) -> i32 {
    %c0_i32 = arith.constant 0 : i32
    %c0_i32_0 = arith.constant 0 : i32
    return %c0_i32 : i32
  }
  func.func @transform_9(%arg0: i32) -> (i32, i32) {
    %c0_i32 = arith.constant 0 : i32
    %c0_i32_0 = arith.constant 0 : i32
    return %arg0, %c0_i32 : i32, i32
  }
}

module attributes {stable_mosaic.version = 14 : i64} {
  func.func @_k3_body(%arg0: i32, %arg1: memref<24xi32, #tpu.memory_space<smem>>, %arg2: memref<1xi32, #tpu.memory_space<smem>>, %arg3: memref<128x1024xf32, #tpu.memory_space<vmem>>, %arg4: memref<1x1024x1024xf32, #tpu.memory_space<vmem>>, %arg5: memref<1x1x1024xf32, #tpu.memory_space<vmem>>, %arg6: memref<1x1024x1024xf32, #tpu.memory_space<vmem>>, %arg7: memref<1x1x1024xf32, #tpu.memory_space<vmem>>, %arg8: memref<1024xf32, #tpu.memory_space<vmem>>, %arg9: memref<1024xf32, #tpu.memory_space<vmem>>, %arg10: memref<1x1024x1024xf32, #tpu.memory_space<vmem>>, %arg11: memref<1x1x1024xf32, #tpu.memory_space<vmem>>, %arg12: memref<128x1xf32, #tpu.memory_space<vmem>>, %arg13: memref<128x1024xf32, #tpu.memory_space<vmem>>) attributes {dimension_semantics = [#tpu.dimension_semantics<arbitrary>], iteration_bounds = array<i64: 24>, scalar_prefetch = 2 : i64, scratch_operands = 0 : i64, tpu.core_type = #tpu.core_type<tc>, window_params = [{transform_indices = @transform_0, window_bounds = array<i64: 128, 1024>}, {transform_indices = @transform_1, window_bounds = array<i64: 1, 1024, 1024>}, {transform_indices = @transform_2, window_bounds = array<i64: 1, 1, 1024>}, {transform_indices = @transform_3, window_bounds = array<i64: 1, 1024, 1024>}, {transform_indices = @transform_4, window_bounds = array<i64: 1, 1, 1024>}, {pipeline_mode = #tpu.pipeline_mode<synchronous>, transform_indices = @transform_5, window_bounds = array<i64: 1024>}, {pipeline_mode = #tpu.pipeline_mode<synchronous>, transform_indices = @transform_6, window_bounds = array<i64: 1024>}, {transform_indices = @transform_7, window_bounds = array<i64: 1, 1024, 1024>}, {transform_indices = @transform_8, window_bounds = array<i64: 1, 1, 1024>}, {transform_indices = @transform_9, window_bounds = array<i64: 128, 1>}, {transform_indices = @transform_10, window_bounds = array<i64: 128, 1024>}]} {
    %get3A = arith.constant 0 : index
    %get3A_0 = memref.load %arg2[%get3A] : memref<1xi32, #tpu.memory_space<smem>>
    %lt3A = arith.cmpi slt, %arg0, %get3A_0 : i32
    %convert_element_type3A = arith.extui %lt3A : i1 to i32
    %cond3A = arith.constant 0 : i32
    %cond3A_1 = arith.cmpi ne, %convert_element_type3A, %cond3A : i32
    scf.if %cond3A_1 {
      %get3A_7 = arith.constant 0 : index
      %get3A_8 = arith.constant 0 : index
      %get3A_9 = vector.load %arg3[%get3A_7, %get3A_8] : memref<128x1024xf32, #tpu.memory_space<vmem>>, vector<128x1024xf32>
      %get3A_10 = arith.constant 0 : index
      %get3A_11 = arith.constant 0 : index
      %get3A_12 = arith.constant 0 : index
      %get3A_13 = vector.load %arg4[%get3A_10, %get3A_11, %get3A_12] : memref<1x1024x1024xf32, #tpu.memory_space<vmem>>, vector<1x1024x1024xf32>
      %get3A_14 = vector.shape_cast %get3A_13 : vector<1x1024x1024xf32> to vector<1024x1024xf32>
      %get3A_15 = arith.constant 0 : index
      %get3A_16 = arith.constant 0 : index
      %get3A_17 = arith.constant 0 : index
      %get3A_18 = vector.load %arg5[%get3A_15, %get3A_16, %get3A_17] : memref<1x1x1024xf32, #tpu.memory_space<vmem>>, vector<1x1x1024xf32>
      %get3A_19 = vector.shape_cast %get3A_18 : vector<1x1x1024xf32> to vector<1x1024xf32>
      %get3A_20 = arith.constant 0 : index
      %get3A_21 = arith.constant 0 : index
      %get3A_22 = arith.constant 0 : index
      %get3A_23 = vector.load %arg6[%get3A_20, %get3A_21, %get3A_22] : memref<1x1024x1024xf32, #tpu.memory_space<vmem>>, vector<1x1024x1024xf32>
      %get3A_24 = vector.shape_cast %get3A_23 : vector<1x1024x1024xf32> to vector<1024x1024xf32>
      %get3A_25 = arith.constant 0 : index
      %get3A_26 = arith.constant 0 : index
      %get3A_27 = arith.constant 0 : index
      %get3A_28 = vector.load %arg7[%get3A_25, %get3A_26, %get3A_27] : memref<1x1x1024xf32, #tpu.memory_space<vmem>>, vector<1x1x1024xf32>
      %get3A_29 = vector.shape_cast %get3A_28 : vector<1x1x1024xf32> to vector<1x1024xf32>
      %get3A_30 = arith.constant 0 : index
      %get3A_31 = vector.load %arg8[%get3A_30] : memref<1024xf32, #tpu.memory_space<vmem>>, vector<1024xf32>
      %broadcast_in_dim3A = vector.shape_cast %get3A_31 : vector<1024xf32> to vector<1x1024xf32>
      %get3A_32 = arith.constant 0 : index
      %get3A_33 = vector.load %arg9[%get3A_32] : memref<1024xf32, #tpu.memory_space<vmem>>, vector<1024xf32>
      %broadcast_in_dim3A_34 = vector.shape_cast %get3A_33 : vector<1024xf32> to vector<1x1024xf32>
      %dot_general3A = arith.constant dense<0.000000e+00> : vector<128x1024xf32>
      %dot_general3A_35 = tpu.matmul %get3A_9, %get3A_14, %dot_general3A {dimension_numbers = #tpu.dot_dimension_numbers<[1], [1], [0], [0], [0, 0, 1, 0], [], []>, transpose_lhs_hint = false} : vector<128x1024xf32>, vector<1024x1024xf32>, vector<128x1024xf32> -> vector<128x1024xf32>
      %add3A = vector.broadcast %get3A_19 : vector<1x1024xf32> to vector<128x1024xf32>
      %add3A_36 = arith.addf %dot_general3A_35, %add3A : vector<128x1024xf32>
      %dot_general3A_37 = arith.constant dense<0.000000e+00> : vector<128x1024xf32>
      %dot_general3A_38 = tpu.matmul %get3A_9, %get3A_24, %dot_general3A_37 {dimension_numbers = #tpu.dot_dimension_numbers<[1], [1], [0], [0], [0, 0, 1, 0], [], []>, transpose_lhs_hint = false} : vector<128x1024xf32>, vector<1024x1024xf32>, vector<128x1024xf32> -> vector<128x1024xf32>
      %add3A_39 = vector.broadcast %get3A_29 : vector<1x1024xf32> to vector<128x1024xf32>
      %add3A_40 = arith.addf %dot_general3A_38, %add3A_39 : vector<128x1024xf32>
      %logistic3A = arith.negf %add3A_36 : vector<128x1024xf32>
      %logistic3A_41 = math.exp %logistic3A : vector<128x1024xf32>
      %logistic3A_42 = arith.constant 1.000000e+00 : f32
      %logistic3A_43 = vector.broadcast %logistic3A_42 : f32 to vector<128x1024xf32>
      %logistic3A_44 = arith.addf %logistic3A_43, %logistic3A_41 : vector<128x1024xf32>
      %logistic3A_45 = arith.divf %logistic3A_43, %logistic3A_44 : vector<128x1024xf32>
      %mul3A = arith.mulf %add3A_36, %logistic3A_45 : vector<128x1024xf32>
      %mul3A_46 = arith.mulf %mul3A, %add3A_40 : vector<128x1024xf32>
      %reduce_sum3A = arith.constant dense<0.000000e+00> : vector<128xf32>
      %reduce_sum3A_47 = vector.multi_reduction <add>, %mul3A_46, %reduce_sum3A [1] : vector<128x1024xf32> to vector<128xf32>
      %broadcast_in_dim3A_48 = vector.shape_cast %reduce_sum3A_47 : vector<128xf32> to vector<128x1xf32>
      %div3A = arith.constant 1.024000e+03 : f32
      %div3A_49 = vector.broadcast %div3A : f32 to vector<128x1xf32>
      %div3A_50 = arith.divf %broadcast_in_dim3A_48, %div3A_49 : vector<128x1xf32>
      %sub3A = vector.broadcast %div3A_50 : vector<128x1xf32> to vector<128x1024xf32>
      %sub3A_51 = arith.subf %mul3A_46, %sub3A : vector<128x1024xf32>
      %integer_pow3A = arith.mulf %sub3A_51, %sub3A_51 : vector<128x1024xf32>
      %reduce_sum3A_52 = arith.constant dense<0.000000e+00> : vector<128xf32>
      %reduce_sum3A_53 = vector.multi_reduction <add>, %integer_pow3A, %reduce_sum3A_52 [1] : vector<128x1024xf32> to vector<128xf32>
      %broadcast_in_dim3A_54 = vector.shape_cast %reduce_sum3A_53 : vector<128xf32> to vector<128x1xf32>
      %div3A_55 = arith.constant 1.024000e+03 : f32
      %div3A_56 = vector.broadcast %div3A_55 : f32 to vector<128x1xf32>
      %div3A_57 = arith.divf %broadcast_in_dim3A_54, %div3A_56 : vector<128x1xf32>
      %sub3A_58 = vector.broadcast %div3A_50 : vector<128x1xf32> to vector<128x1024xf32>
      %sub3A_59 = arith.subf %mul3A_46, %sub3A_58 : vector<128x1024xf32>
      %add3A_60 = arith.constant 9.99999974E-6 : f32
      %add3A_61 = vector.broadcast %add3A_60 : f32 to vector<128x1xf32>
      %add3A_62 = arith.addf %div3A_57, %add3A_61 : vector<128x1xf32>
      %sqrt3A = math.sqrt %add3A_62 : vector<128x1xf32>
      %div3A_63 = vector.broadcast %sqrt3A : vector<128x1xf32> to vector<128x1024xf32>
      %div3A_64 = arith.divf %sub3A_59, %div3A_63 : vector<128x1024xf32>
      %mul3A_65 = vector.broadcast %broadcast_in_dim3A : vector<1x1024xf32> to vector<128x1024xf32>
      %mul3A_66 = arith.mulf %div3A_64, %mul3A_65 : vector<128x1024xf32>
      %add3A_67 = vector.broadcast %broadcast_in_dim3A_34 : vector<1x1024xf32> to vector<128x1024xf32>
      %add3A_68 = arith.addf %mul3A_66, %add3A_67 : vector<128x1024xf32>
      %get3A_69 = arith.constant 0 : index
      %get3A_70 = arith.constant 0 : index
      %get3A_71 = arith.constant 0 : index
      %get3A_72 = vector.load %arg10[%get3A_69, %get3A_70, %get3A_71] : memref<1x1024x1024xf32, #tpu.memory_space<vmem>>, vector<1x1024x1024xf32>
      %get3A_73 = vector.shape_cast %get3A_72 : vector<1x1024x1024xf32> to vector<1024x1024xf32>
      %dot_general3A_74 = arith.constant dense<0.000000e+00> : vector<128x1024xf32>
      %dot_general3A_75 = tpu.matmul %add3A_68, %get3A_73, %dot_general3A_74 {dimension_numbers = #tpu.dot_dimension_numbers<[1], [1], [0], [0], [0, 0, 1, 0], [], []>, transpose_lhs_hint = false} : vector<128x1024xf32>, vector<1024x1024xf32>, vector<128x1024xf32> -> vector<128x1024xf32>
      %get3A_76 = arith.constant 0 : index
      %get3A_77 = arith.constant 0 : index
      %get3A_78 = arith.constant 0 : index
      %get3A_79 = vector.load %arg11[%get3A_76, %get3A_77, %get3A_78] : memref<1x1x1024xf32, #tpu.memory_space<vmem>>, vector<1x1x1024xf32>
      %get3A_80 = vector.shape_cast %get3A_79 : vector<1x1x1024xf32> to vector<1x1024xf32>
      %add3A_81 = vector.broadcast %get3A_80 : vector<1x1024xf32> to vector<128x1024xf32>
      %add3A_82 = arith.addf %dot_general3A_75, %add3A_81 : vector<128x1024xf32>
      %get3A_83 = arith.constant 0 : index
      %get3A_84 = arith.constant 0 : index
      %get3A_85 = vector.load %arg12[%get3A_83, %get3A_84] : memref<128x1xf32, #tpu.memory_space<vmem>>, vector<128x1xf32>
      %mul3A_86 = vector.broadcast %get3A_85 : vector<128x1xf32> to vector<128x1024xf32>
      %mul3A_87 = arith.mulf %add3A_82, %mul3A_86 : vector<128x1024xf32>
      %swap3A = arith.constant 0 : index
      %swap3A_88 = arith.constant 0 : index
      %swap3A_89 = vector.load %arg13[%swap3A, %swap3A_88] : memref<128x1024xf32, #tpu.memory_space<vmem>>, vector<128x1024xf32>
      tpu.vector_store %arg13[%swap3A, %swap3A_88], %mul3A_87 {strides = array<i32>} : memref<128x1024xf32, #tpu.memory_space<vmem>>, vector<128x1024xf32>,
    } else {
    }
    %get3A_2 = arith.constant 0 : index
    %get3A_3 = memref.load %arg2[%get3A_2] : memref<1xi32, #tpu.memory_space<smem>>
    %ge3A = arith.cmpi sge, %arg0, %get3A_3 : i32
    %convert_element_type3A_4 = arith.extui %ge3A : i1 to i32
    %cond3A_5 = arith.constant 0 : i32
    %cond3A_6 = arith.cmpi ne, %convert_element_type3A_4, %cond3A_5 : i32
    scf.if %cond3A_6 {
      %broadcast_in_dim3A = arith.constant 0.000000e+00 : f32
      %broadcast_in_dim3A_7 = vector.broadcast %broadcast_in_dim3A : f32 to vector<128x1024xf32>
      %swap3A = arith.constant 0 : index
      %swap3A_8 = arith.constant 0 : index
      %swap3A_9 = vector.load %arg13[%swap3A, %swap3A_8] : memref<128x1024xf32, #tpu.memory_space<vmem>>, vector<128x1024xf32>
      tpu.vector_store %arg13[%swap3A, %swap3A_8], %broadcast_in_dim3A_7 {strides = array<i32>} : memref<128x1024xf32, #tpu.memory_space<vmem>>, vector<128x1024xf32>,
    } else {
    }
    return
  }
  func.func @transform_0(%arg0: i32, %arg1: memref<24xi32, #tpu.memory_space<smem>>, %arg2: memref<1xi32, #tpu.memory_space<smem>>) -> (i32, i32) {
    %c0_i32 = arith.constant 0 : i32
    %c0_i32_0 = arith.constant 0 : i32
    return %arg0, %c0_i32 : i32, i32
  }
  func.func @transform_1(%arg0: i32, %arg1: memref<24xi32, #tpu.memory_space<smem>>, %arg2: memref<1xi32, #tpu.memory_space<smem>>) -> (i32, i32, i32) {
    %get3A = arith.index_cast %arg0 : i32 to index
    %get3A_0 = memref.load %arg1[%get3A] : memref<24xi32, #tpu.memory_space<smem>>
    %c0_i32 = arith.constant 0 : i32
    %c0_i32_1 = arith.constant 0 : i32
    %c0_i32_2 = arith.constant 0 : i32
    return %get3A_0, %c0_i32, %c0_i32_1 : i32, i32, i32
  }
  func.func @transform_2(%arg0: i32, %arg1: memref<24xi32, #tpu.memory_space<smem>>, %arg2: memref<1xi32, #tpu.memory_space<smem>>) -> (i32, i32, i32) {
    %get3A = arith.index_cast %arg0 : i32 to index
    %get3A_0 = memref.load %arg1[%get3A] : memref<24xi32, #tpu.memory_space<smem>>
    %c0_i32 = arith.constant 0 : i32
    %c0_i32_1 = arith.constant 0 : i32
    %c0_i32_2 = arith.constant 0 : i32
    return %get3A_0, %c0_i32, %c0_i32_1 : i32, i32, i32
  }
  func.func @transform_3(%arg0: i32, %arg1: memref<24xi32, #tpu.memory_space<smem>>, %arg2: memref<1xi32, #tpu.memory_space<smem>>) -> (i32, i32, i32) {
    %get3A = arith.index_cast %arg0 : i32 to index
    %get3A_0 = memref.load %arg1[%get3A] : memref<24xi32, #tpu.memory_space<smem>>
    %c0_i32 = arith.constant 0 : i32
    %c0_i32_1 = arith.constant 0 : i32
    %c0_i32_2 = arith.constant 0 : i32
    return %get3A_0, %c0_i32, %c0_i32_1 : i32, i32, i32
  }
  func.func @transform_4(%arg0: i32, %arg1: memref<24xi32, #tpu.memory_space<smem>>, %arg2: memref<1xi32, #tpu.memory_space<smem>>) -> (i32, i32, i32) {
    %get3A = arith.index_cast %arg0 : i32 to index
    %get3A_0 = memref.load %arg1[%get3A] : memref<24xi32, #tpu.memory_space<smem>>
    %c0_i32 = arith.constant 0 : i32
    %c0_i32_1 = arith.constant 0 : i32
    %c0_i32_2 = arith.constant 0 : i32
    return %get3A_0, %c0_i32, %c0_i32_1 : i32, i32, i32
  }
  func.func @transform_5(%arg0: i32, %arg1: memref<24xi32, #tpu.memory_space<smem>>, %arg2: memref<1xi32, #tpu.memory_space<smem>>) -> i32 {
    %c0_i32 = arith.constant 0 : i32
    %c0_i32_0 = arith.constant 0 : i32
    return %c0_i32 : i32
  }
  func.func @transform_6(%arg0: i32, %arg1: memref<24xi32, #tpu.memory_space<smem>>, %arg2: memref<1xi32, #tpu.memory_space<smem>>) -> i32 {
    %c0_i32 = arith.constant 0 : i32
    %c0_i32_0 = arith.constant 0 : i32
    return %c0_i32 : i32
  }
  func.func @transform_7(%arg0: i32, %arg1: memref<24xi32, #tpu.memory_space<smem>>, %arg2: memref<1xi32, #tpu.memory_space<smem>>) -> (i32, i32, i32) {
    %get3A = arith.index_cast %arg0 : i32 to index
    %get3A_0 = memref.load %arg1[%get3A] : memref<24xi32, #tpu.memory_space<smem>>
    %c0_i32 = arith.constant 0 : i32
    %c0_i32_1 = arith.constant 0 : i32
    %c0_i32_2 = arith.constant 0 : i32
    return %get3A_0, %c0_i32, %c0_i32_1 : i32, i32, i32
  }
  func.func @transform_8(%arg0: i32, %arg1: memref<24xi32, #tpu.memory_space<smem>>, %arg2: memref<1xi32, #tpu.memory_space<smem>>) -> (i32, i32, i32) {
    %get3A = arith.index_cast %arg0 : i32 to index
    %get3A_0 = memref.load %arg1[%get3A] : memref<24xi32, #tpu.memory_space<smem>>
    %c0_i32 = arith.constant 0 : i32
    %c0_i32_1 = arith.constant 0 : i32
    %c0_i32_2 = arith.constant 0 : i32
    return %get3A_0, %c0_i32, %c0_i32_1 : i32, i32, i32
  }
  func.func @transform_9(%arg0: i32, %arg1: memref<24xi32, #tpu.memory_space<smem>>, %arg2: memref<1xi32, #tpu.memory_space<smem>>) -> (i32, i32) {
    %c0_i32 = arith.constant 0 : i32
    %c0_i32_0 = arith.constant 0 : i32
    return %arg0, %c0_i32 : i32, i32
  }
  func.func @transform_10(%arg0: i32, %arg1: memref<24xi32, #tpu.memory_space<smem>>, %arg2: memref<1xi32, #tpu.memory_space<smem>>) -> (i32, i32) {
    %c0_i32 = arith.constant 0 : i32
    %c0_i32_0 = arith.constant 0 : i32
    return %arg0, %c0_i32 : i32, i32
  }
}

module attributes {stable_mosaic.version = 14 : i64} {
  func.func @_k2c_body(%arg0: i32, %arg1: memref<1x2048xf32, #tpu.memory_space<vmem>>, %arg2: memref<2048x4xf32, #tpu.memory_space<vmem>>, %arg3: memref<512x1024xf32, #tpu.memory_space<vmem>>, %arg4: memref<3072x1024xf32, #tpu.memory_space<vmem>>, %arg5: memref<512x1024xf32, #tpu.memory_space<vmem>>) attributes {dimension_semantics = [#tpu.dimension_semantics<arbitrary>], iteration_bounds = array<i64: 8>, scalar_prefetch = 0 : i64, scratch_operands = 0 : i64, tpu.core_type = #tpu.core_type<tc>, window_params = [{pipeline_mode = #tpu.pipeline_mode<synchronous>, transform_indices = @transform_0, window_bounds = array<i64: 1, 2048>}, {pipeline_mode = #tpu.pipeline_mode<synchronous>, transform_indices = @transform_1, window_bounds = array<i64: 2048, 4>}, {transform_indices = @transform_2, window_bounds = array<i64: 512, 1024>}, {pipeline_mode = #tpu.pipeline_mode<synchronous>, transform_indices = @transform_3, window_bounds = array<i64: 3072, 1024>}, {transform_indices = @transform_4, window_bounds = array<i64: 512, 1024>}]} {
    %iota3A = tpu.iota {dimensions = array<i32: 0>} : vector<512x1xi32>
    %convert_element_type3A = arith.sitofp %iota3A : vector<512x1xi32> to vector<512x1xf32>
    %mul3A = arith.constant 512 : i32
    %mul3A_0 = arith.muli %arg0, %mul3A : i32
    %convert_element_type3A_1 = arith.sitofp %mul3A_0 : i32 to f32
    %add3A = vector.broadcast %convert_element_type3A_1 : f32 to vector<512x1xf32>
    %add3A_2 = arith.addf %convert_element_type3A, %add3A : vector<512x1xf32>
    %get3A = arith.constant 0 : index
    %get3A_3 = arith.constant 0 : index
    %get3A_4 = vector.load %arg1[%get3A, %get3A_3] : memref<1x2048xf32, #tpu.memory_space<vmem>>, vector<1x2048xf32>
    %eq3A = vector.broadcast %add3A_2 : vector<512x1xf32> to vector<512x2048xf32>
    %eq3A_5 = vector.broadcast %get3A_4 : vector<1x2048xf32> to vector<512x2048xf32>
    %eq3A_6 = arith.cmpf oeq, %eq3A, %eq3A_5 : vector<512x2048xf32>
    %convert_element_type3A_7 = arith.extui %eq3A_6 : vector<512x2048xi1> to vector<512x2048xi32>
    %convert_element_type3A_8 = arith.sitofp %convert_element_type3A_7 : vector<512x2048xi32> to vector<512x2048xf32>
    %get3A_9 = arith.constant 0 : index
    %get3A_10 = arith.constant 0 : index
    %get3A_11 = vector.load %arg2[%get3A_9, %get3A_10] : memref<2048x4xf32, #tpu.memory_space<vmem>>, vector<2048x4xf32>
    %dot_general3A = arith.constant dense<0.000000e+00> : vector<512x4xf32>
    %dot_general3A_12 = tpu.matmul %convert_element_type3A_8, %get3A_11, %dot_general3A {dimension_numbers = #tpu.dot_dimension_numbers<[1], [0], [0], [1], [0, 0, 1, 1], [], []>, precision = #tpu.contract_precision<fp32>, transpose_lhs_hint = false} : vector<512x2048xf32>, vector<2048x4xf32>, vector<512x4xf32> -> vector<512x4xf32>
    %slice3A = vector.extract_strided_slice %dot_general3A_12 {offsets = [0, 3], sizes = [512, 1], strides = [1, 1]} : vector<512x4xf32> to vector<512x1xf32>
    %gt3A = arith.constant 5.000000e-01 : f32
    %gt3A_13 = vector.broadcast %gt3A : f32 to vector<512x1xf32>
    %gt3A_14 = arith.cmpf ogt, %slice3A, %gt3A_13 : vector<512x1xf32>
    %slice3A_15 = vector.extract_strided_slice %dot_general3A_12 {offsets = [0, 1], sizes = [512, 1], strides = [1, 1]} : vector<512x4xf32> to vector<512x1xf32>
    %jit3A = arith.constant 1.000000e+00 : f32
    %broadcast_in_dim3A = vector.broadcast %jit3A : f32 to vector<512x1xf32>
    %select_n3A = arith.select %gt3A_14, %slice3A_15, %broadcast_in_dim3A : vector<512x1xi1>, vector<512x1xf32>
    %slice3A_16 = vector.extract_strided_slice %dot_general3A_12 {offsets = [0, 0], sizes = [512, 1], strides = [1, 1]} : vector<512x4xf32> to vector<512x1xf32>
    %jit3A_17 = arith.constant -1.000000e+00 : f32
    %broadcast_in_dim3A_18 = vector.broadcast %jit3A_17 : f32 to vector<512x1xf32>
    %select_n3A_19 = arith.select %gt3A_14, %slice3A_16, %broadcast_in_dim3A_18 : vector<512x1xi1>, vector<512x1xf32>
    %iota3A_20 = tpu.iota {dimensions = array<i32: 1>} : vector<512x3072xi32>
    %convert_element_type3A_21 = arith.sitofp %iota3A_20 : vector<512x3072xi32> to vector<512x3072xf32>
    %eq3A_22 = vector.broadcast %select_n3A_19 : vector<512x1xf32> to vector<512x3072xf32>
    %eq3A_23 = arith.cmpf oeq, %eq3A_22, %convert_element_type3A_21 : vector<512x3072xf32>
    %convert_element_type3A_24 = arith.extui %eq3A_23 : vector<512x3072xi1> to vector<512x3072xi32>
    %convert_element_type3A_25 = arith.sitofp %convert_element_type3A_24 : vector<512x3072xi32> to vector<512x3072xf32>
    %convert_element_type3A_26 = arith.truncf %convert_element_type3A_25 : vector<512x3072xf32> to vector<512x3072xbf16>
    %get3A_27 = arith.constant 0 : index
    %get3A_28 = arith.constant 0 : index
    %get3A_29 = vector.load %arg4[%get3A_27, %get3A_28] : memref<3072x1024xf32, #tpu.memory_space<vmem>>, vector<3072x1024xf32>
    %convert_element_type3A_30 = arith.truncf %get3A_29 : vector<3072x1024xf32> to vector<3072x1024xbf16>
    %dot_general3A_31 = arith.constant dense<0.000000e+00> : vector<512x1024xf32>
    %dot_general3A_32 = tpu.matmul %convert_element_type3A_26, %convert_element_type3A_30, %dot_general3A_31 {dimension_numbers = #tpu.dot_dimension_numbers<[1], [0], [0], [1], [0, 0, 1, 1], [], []>, transpose_lhs_hint = false} : vector<512x3072xbf16>, vector<3072x1024xbf16>, vector<512x1024xf32> -> vector<512x1024xf32>
    %get3A_33 = arith.constant 0 : index
    %get3A_34 = arith.constant 0 : index
    %get3A_35 = vector.load %arg3[%get3A_33, %get3A_34] : memref<512x1024xf32, #tpu.memory_space<vmem>>, vector<512x1024xf32>
    %mul3A_36 = vector.broadcast %select_n3A : vector<512x1xf32> to vector<512x1024xf32>
    %mul3A_37 = arith.mulf %get3A_35, %mul3A_36 : vector<512x1024xf32>
    %add3A_38 = arith.addf %mul3A_37, %dot_general3A_32 : vector<512x1024xf32>
    %swap3A = arith.constant 0 : index
    %swap3A_39 = arith.constant 0 : index
    %swap3A_40 = vector.load %arg5[%swap3A, %swap3A_39] : memref<512x1024xf32, #tpu.memory_space<vmem>>, vector<512x1024xf32>
    tpu.vector_store %arg5[%swap3A, %swap3A_39], %add3A_38 {strides = array<i32>} : memref<512x1024xf32, #tpu.memory_space<vmem>>, vector<512x1024xf32>,
    return
  }
  func.func @transform_0(%arg0: i32) -> (i32, i32) {
    %c0_i32 = arith.constant 0 : i32
    %c0_i32_0 = arith.constant 0 : i32
    %c0_i32_1 = arith.constant 0 : i32
    return %c0_i32, %c0_i32_0 : i32, i32
  }
  func.func @transform_1(%arg0: i32) -> (i32, i32) {
    %c0_i32 = arith.constant 0 : i32
    %c0_i32_0 = arith.constant 0 : i32
    %c0_i32_1 = arith.constant 0 : i32
    return %c0_i32, %c0_i32_0 : i32, i32
  }
  func.func @transform_2(%arg0: i32) -> (i32, i32) {
    %c0_i32 = arith.constant 0 : i32
    %c0_i32_0 = arith.constant 0 : i32
    return %arg0, %c0_i32 : i32, i32
  }
  func.func @transform_3(%arg0: i32) -> (i32, i32) {
    %c0_i32 = arith.constant 0 : i32
    %c0_i32_0 = arith.constant 0 : i32
    %c0_i32_1 = arith.constant 0 : i32
    return %c0_i32, %c0_i32_0 : i32, i32
  }
  func.func @transform_4(%arg0: i32) -> (i32, i32) {
    %c0_i32 = arith.constant 0 : i32
    %c0_i32_0 = arith.constant 0 : i32
    return %arg0, %c0_i32 : i32, i32
  }
}

</mosaic_0001>

<sc_bundles>
// kernel: kernel.10.cloned.1.call-start
scs
__scs_entry_jumppad:
0x0: {  	(pc) =	sbr.rel $0x88, $3  }
0x1: {  	(tag) =	ssettag $0x0;
	lr =	simm.s32 $0x1  }
0x2: {  	[smem:$0x3F8A] =	sst lr;
	_ =	strace $0xD0000000  }
0x3: {  	_ = 	snop  }
0x4: {  	_ = 	snop  }
0x5: {  	_ = 	snop  }
0x6: {  	_ = 	snop  }
0x7: {  	_ = 	snop  }
__scs_overlays_trampoline_lowered:
0x8: {  	[smem:$0x3F99] =	sst s0  }
0x9: {  	[smem:$0x3F9A] =	sst s1  }
0xa: {  	[smem:$0x3F9B] =	sst s2  }
0xb: {  	[smem:$0x3F9C] =	sst s3  }
0xc: {  	[smem:$0x3F9D] =	sst s4  }
0xd: {  	[smem:$0x3F9E] =	sst s5  }
0xe: {  	[smem:$0x3F9F] =	sst s6  }
0xf: {  	[smem:$0x3FA0] =	sst s7  }
0x10: {  	[smem:$0x3FA1] =	sst s8  }
0x11: {  	[smem:$0x3FA2] =	sst s9;
	s0 =	simm.s32 @!p0 $0x0  }
0x12: {  	s1 =	sld [smem:$0x3F88];
	s0 =	simm.s32 @p0 $0x1  }
0x13: {  	[smem:$0x3FA3] =	sst s0;
	s0 =	simm.s32 @!p1 $0x0  }
0x14: {  	s2 =	sld [smem:$0x3F87];
	s0 =	simm.s32 @p1 $0x1  }
0x15: {  	[smem:$0x3FA4] =	sst s0;
	s0 =	simm.s32 @!p2 $0x0  }
0x16: {  	s3 =	sld [smem:$0x3FDB];
	s0 =	simm.s32 @p2 $0x1  }
0x17: {  	s4 =	simm.s32 $0x1BF5;
	[smem:$0x3FA6] =	sst s0  }
0x18: {  	s0 =	sld [smem:$0x3F89];
	_ =	swait.ge [sflag:s4], $0x0  }
0x19: {  	s7 =	sld [smem:$0x3F8A]  }
0x1a: {  	s8 =	sadd.s32 $0xFFFFE003, lr  }
0x1b: {  	s9 =	sadd.s32 $0xFFFFFEF7, lr;
	s5 =	simm.s32 $0xFFFFFFFF;
	p2 =	slt.u32 s8, $0xFFFFF086  }
0x1c: {  	p1 =	slt.u32 s9, $0xF7A;
	s5 =	simm.s32 @!p2 $0x0  }
0x1d: {  	s5 =	simm.s32 @p1 $0x1;
	p0 =	seq.s32 s7, s2  }
0x1e: {  	s7 =	smul.u32 @!p0 $0xF7A, s2;
	p2 =	seq.s32 @!p0 s5, $0x0  }
0x1f: {  	s9 =	smul.u32 $0xF7A, s1;
	s8 =	simm.s32 @!p0 $0x1BF5;
	p2 =	por !p2, p0  }
0x20: {  	[sflag:s8] =	ssyncset.s32 @!p0 $0xFFFFF086;
	s6 =	sadd.s32 @!p0 s3, s7;
	s7 =	simm.s32 @!p0 $0x108  }
0x21: {  	s3 =	sadd.s32 s3, s9;
	s6 =	sadd.s32 @!p0 $0x88, s6;
	s7 =	simm.s32 @p2 $0x1082  }
0x22: {  	[simem:s7], [sflag:s8] =	dma.local @!p0 [hbm:s6], $0xF7A  }
0x23: {  	s9 =	sor.u32 $0xD0000000, s2;
	s6 =	simm.s32 $0x108;
	_ =	swait.ge @!p0 [sflag:s8], $0x0  }
0x24: {  	s3 =	sadd.s32 $0x88, s3;
	s6 =	simm.s32 @!p1 $0x1082;
	[sflag:s4] =	ssyncset.s32 $0xFFFFF086  }
0x25: {  	[simem:s6], [sflag:s4] =	dma.local [hbm:s3], $0xF7A  }
0x26: {  	[smem:$0x3F8A] =	sst s1;
	(tag) =	ssettag s2;
	_ =	strace s9  }
0x27: {  	s1 =	sld [smem:$0x3F9A]  }
0x28: {  	s2 =	sld [smem:$0x3F9B]  }
0x29: {  	s4 =	sld [smem:$0x3F9D]  }
0x2a: {  	p0 =	seq.s32 s5, $0x0;
	s5 =	sld [smem:$0x3F9E]  }
0x2b: {  	s6 =	sld [smem:$0x3F9F]  }
0x2c: {  	s7 =	sld [smem:$0x3FA0]  }
0x2d: {  	s3 =	simm.s32 $0x108;
	s8 =	sld [smem:$0x3FA1]  }
0x2e: {  	s3 =	simm.s32 @!p0 $0x1082;
	s9 =	sld [smem:$0x3FA2]  }
0x2f: {  	lr =	sadd.s32 s0, s3;
	s0 =	sld [smem:$0x3F99]  }
0x30: {  	s3 =	sld [smem:$0x3F9C]  }
0x31: {  	[smem:$0x3FA5] =	sst s10  }
0x32: {  	s10 =	sld [smem:$0x3FA3];
	_ =	sdelay $0x3  }
0x33: {  	p0 =	seq.s32 s10, $0x1;
	s10 =	sld [smem:$0x3FA5];
	_ =	sdelay $0x3  }
0x34: {  	[smem:$0x3FA5] =	sst s10  }
0x35: {  	s10 =	sld [smem:$0x3FA4];
	_ =	sdelay $0x3  }
0x36: {  	p1 =	seq.s32 s10, $0x1;
	s10 =	sld [smem:$0x3FA5];
	_ =	sdelay $0x3  }
0x37: {  	[smem:$0x3FA5] =	sst s10  }
0x38: {  	s10 =	sld [smem:$0x3FA6]  }
0x39: {  	_ = 	snop;
	(pc) =	sbr.ind lr, $3  }
0x3a: {  	_ = 	snop  }
0x3b: {  	_ = 	snop  }
0x3c: {  	p2 =	seq.s32 s10, $0x1;
	s10 =	sld [smem:$0x3FA5]  }
0x3d: {  	_ =	shalt  }
0x3e: {  	_ =	shalt  }
0x3f: {  	_ =	shalt  }
0x40: {  	_ =	shalt  }
0x41: {  	_ =	shalt  }
0x42: {  	_ =	shalt  }
0x43: {  	_ =	shalt  }
0x44: {  	_ =	shalt  }
0x45: {  	_ =	shalt  }
0x46: {  	_ =	shalt  }
0x47: {  	_ =	shalt  }
0x48: {  	_ =	shalt  }
0x49: {  	_ =	shalt  }
0x4a: {  	_ =	shalt  }
0x4b: {  	_ =	shalt  }
0x4c: {  	_ =	shalt  }
0x4d: {  	_ =	shalt  }
0x4e: {  	_ =	shalt  }
0x4f: {  	_ =	shalt  }
0x50: {  	_ =	shalt  }
0x51: {  	_ =	shalt  }
0x52: {  	_ =	shalt  }
0x53: {  	_ =	shalt  }
0x54: {  	_ =	shalt  }
0x55: {  	_ =	shalt  }
0x56: {  	_ =	shalt  }
0x57: {  	_ =	shalt  }
0x58: {  	_ =	shalt  }
0x59: {  	_ =	shalt  }
0x5a: {  	_ =	shalt  }
0x5b: {  	_ =	shalt  }
0x5c: {  	_ =	shalt  }
0x5d: {  	_ =	shalt  }
0x5e: {  	_ =	shalt  }
0x5f: {  	_ =	shalt  }
0x60: {  	_ =	shalt  }
0x61: {  	_ =	shalt  }
0x62: {  	_ =	shalt  }
0x63: {  	_ =	shalt  }
0x64: {  	_ =	shalt  }
0x65: {  	_ =	shalt  }
0x66: {  	_ =	shalt  }
0x67: {  	_ =	shalt  }
0x68: {  	_ =	shalt  }
0x69: {  	_ =	shalt  }
0x6a: {  	_ =	shalt  }
0x6b: {  	_ =	shalt  }
0x6c: {  	_ =	shalt  }
0x6d: {  	_ =	shalt  }
0x6e: {  	_ =	shalt  }
0x6f: {  	_ =	shalt  }
0x70: {  	_ =	shalt  }
0x71: {  	_ =	shalt  }
0x72: {  	_ =	shalt  }
0x73: {  	_ =	shalt  }
0x74: {  	_ =	shalt  }
0x75: {  	_ =	shalt  }
0x76: {  	_ =	shalt  }
0x77: {  	_ =	shalt  }
0x78: {  	_ =	shalt  }
0x79: {  	_ =	shalt  }
0x7a: {  	_ =	shalt  }
0x7b: {  	_ =	shalt  }
0x7c: {  	_ =	shalt  }
0x7d: {  	_ =	shalt  }
0x7e: {  	_ =	shalt  }
0x7f: {  	_ =	shalt  }
0x80: {  	_ =	shalt  }
0x81: {  	_ =	shalt  }
0x82: {  	_ =	shalt  }
0x83: {  	_ =	shalt  }
0x84: {  	_ =	shalt  }
0x85: {  	_ =	shalt  }
0x86: {  	_ =	shalt  }
0x87: {  	_ =	shalt  }
.Lfunc_end0:
.L_simem_size_0:
called_computation_lowered:
.L_overlay_start_0:
0x88: {  	s2 =	sld [smem:$0x3FD9]  }
0x89: {  	s3 =	sld [smem:$0x3FFE];
	_ =	sdelay $0x1  }
0x8a: {  	s1 =	srdreg.scid  }
0x8b: {  	s0 =	sand.u32 $0x1, s1  }
0x8c: {  	s17 =	sshll.u32 s0, $0xA;
	s2 =	sadd.s32 s3, s2  }
0x8d: {  	s2 =	sadd.s32 s2, s17  }
0x8e: {  	[smem:$0x3FB1] =	sst s2  }
0x8f: {  	_ = 	snop  }
0x90: {  	s2 =	sld [smem:$0x3FC8]  }
0x91: {  	s18 =	sld [smem:$0x3FD0];
	(tm) =	ssettm $0x1  }
0x92: {  	s4 =	sld [smem:$0x3FFB];
	_ =	sdelay $0x3  }
0x93: {  	_ =	strace s4  }
0x94: {  	s4 =	sld [smem:$0x3FFC];
	_ =	sdelay $0x3  }
0x95: {  	_ =	strace s4  }
0x96: {  	s4 =	sld [smem:$0x3FFD];
	_ =	sdelay $0x3  }
0x97: {  	_ =	strace s4  }
0x98: {  	_ =	strace $0x8FFFFFFF  }
0x99: {  	s19 =	sld [smem:$0x3FDB];
	_ =	sdelay $0x1  }
0x9a: {  	s5 =	simm.s32 $_scs_section_size  }
0x9b: {  	s6 =	simm.s32 $_size__tile_overlayer_lowered;
	s7 =	simm.s32 $_tile_overlayer_lowered  }
0x9c: {  	s22 =	simm.s32 $0x1BFF;
	s21 =	sshll.u32 s7, $0x1;
	s4 =	sadd.s32 s5, s19  }
0x9d: {  	s8 =	simm.s32 $0x0;
	s20 =	sshll.u32 s6, $0x1;
	s6 =	sadd.s32 s21, s4  }
0x9e: {  	[timem:s8], [sflag:s22] =	dma.local [hbm:s6], s20  }
0x9f: {  	_ =	swait.ge [sflag:s22], s20  }
0xa0: {  	s5 =	ssub.s32 $0x0, s20;
	[sflag:s22] =	ssyncset.done $0x0  }
0xa1: {  	[sflag:s22] =	ssyncadd.s32 s5;
	_ =	sdelay $0x1  }
0xa2: {  	s23 =	simm.s32 $0x1B8B  }
0xa3: {  	_ =	swait.ge [sflag:s23], $0x1  }
0xa4: {  	[sflag:s23] =	ssyncset.done $0x0  }
0xa5: {  	s25 =	simm.s32 $0x1B8E;
	s24 =	sld [smem:$0x3FFE];
	[sflag:s23] =	ssyncadd.s32 $0xFFFFFFFF  }
0xa6: {  	s26 =	simm.s32 $execute0_lowered;
	[smem:$0x3FD2] =	sst s25  }
0xa7: {  	s6 =	sshll.u32 s26, $0x1;
	_ =	strace $0x80000046;
	[dreg:$0x1] =	wrdreg $0xFFFFFFFF  }
0xa8: {  	s28 =	simm.s32 $_size_execute0_lowered;
	s4 =	sadd.s32 s4, s6;
	[dreg:$0x0] =	wrdreg $0x0  }
0xa9: {  	s6 =	sshll.u32 s28, $0x1;
	[dreg:$0x2] =	wrdreg s4  }
0xaa: {  	[dreg:$0x3] =	wrdreg s6  }
0xab: {  	[dreg:$0x4] =	wrdreg $0xC0  }
0xac: {  	_ =	task [dreg:s8], $0x5FFFF  }
0xad: {  	[dreg:$0x1] =	wrdreg $0xFFFFFFFF  }
0xae: {  	[dreg:$0x0] =	wrdreg $0x60  }
0xaf: {  	[dreg:$0x2] =	wrdreg s18  }
0xb0: {  	[dreg:$0x3] =	wrdreg s2  }
0xb1: {  	[dreg:$0x4] =	wrdreg s24  }
0xb2: {  	[dreg:$0x5] =	wrdreg $0x9  }
0xb3: {  	_ =	task.clear_ibuf [dreg:s8], $0x6FFFF;
	_ =	strace $0x90000046  }
0xb4: {  	s29 =	simm.s32 $0x9;
	_ =	strace $0x80000048  }
0xb5: {  	_ =	swait.ge [sflag:s29], $0x1  }
0xb6: {  	[sflag:s29] =	ssyncadd.s32 $0xFFFFFFFF  }
0xb7: {  	_ =	strace $0x90000048  }
0xb8: {  	_ =	sfence  }
0xb9: {  	s30 =	sld [smem:$0x0];
	_ =	sdelay $0x2  }
0xba: {  	s31 =	sshll.u32 s1, $0xD;
	s1 =	sshrl.u32 s1, $0x2  }
0xbb: {  	s3 =	sand.u32 $0x4000, s31;
	s1 =	sadd.s32 s1, s30  }
0xbc: {  	s0 =	sor.u32 s3, s0;
	s1 =	sshll.u32 s1, $0x11  }
0xbd: {  	s0 =	sor.u32 s1, s0  }
0xbe: {  	s0 =	sadd.s32 $0x8F2B, s0  }
0xbf: {  	[sflag:s0] =	ssyncadd.remote.s32 $0x1  }
0xc0: {  	_ =	sfence.sel $0xFFFF  }
0xc1: {  	[dreg:$0x0] =	wrdreg $0xFFFFFFFF;
	(pc) =	sbr.abs _section_cstart, $3  }
0xc2: {  	[dreg:$0x1] =	wrdreg $0xFFFFFFFF  }
0xc3: {  	_ =	task.clear_ibuf [dreg:s8], $0x2FFFF;
	_ =	strace $0x9FFFFFFF  }
0xc4: {  	(tm) =	ssettm $0x7FFFFFFF  }
0xc5: {  	_ =	shalt  }
tec
execute0_lowered:
.L_overlay_start_1:
0x0: {  	(tag) =	ssettag $0x1  }
0x1: {  	s1 =	rddreg [dreg:$0x0];
	s2 =	srdreg.scid  }
0x2: {  	s4 =	rddreg [dreg:$0x1];
	s0 =	stileid.u32  }
0x3: {  	s9 =	rddreg [dreg:$0x2];
	s3 =	simm.s32 $0x0;
	s6 =	sand.u32 $0x1, s2  }
0x4: {  	s5 =	sshll.u32 s0, $0x7;
	s2 =	rddreg [dreg:$0x3];
	s7 =	sshll.u32 s6, $0x6  }
0x5: {  	s8 =	simm.s32 $0x1;
	[smem:$0x7FF] =	sst s3;
	s10 =	sor.u32 s7, s5  }
0x6: {  	_ =	strace $0x80000047;
	s11 =	ssub.s32 $0x2, s6;
	s5 =	sshrl.u32 s10, $0x3  }
0x7: {  	s6 =	simm.s32 $0x40;
	s5 =	sadd.s32 s4, s5;
	s4 =	simm.s32 $0x2  }
0x8: {  	[tilespmem:s3], [sflag:$0x2] =	stream.linear.gather [hbm4b:s5+s3], $0x40, $0x38;
	[tilespmem:$0x2080] =	vst v63  }
0x9: {  	s7 =	simm.s32 $0x80;
	s12 =	sshrl.u32 s11, $0x1;
	_ =	swait.ge [sflag:s4], $0x40  }
0xa: {  	s10 =	sshll.u32 s10, $0x4;
	s31 =	ssub.s32 s11, s12;
	[sflag:s4] =	ssyncset.done $0x0  }
0xb: {  	s9 =	sadd.s32 s10, s9;
	s10 =	smax.u32 s31, $0x1;
	[sflag:s4] =	ssyncadd.s32 $0xFFFFFFC0  }
0xc: {  	[tilespmem:s7], [sflag:$0x1] =	stream.indirect.gather [hbm4b:s1+s6], $0x80, s3, s6, $0xb8;
	[tilespmem:$0x2080] =	vst v63  }
0xd: {  	p0 =	sne.s32 s10, $0x1;
	_ =	swait.ge [sflag:s8], $0x2000  }
.Ltmp0:
0xe: {  	[sflag:s8] =	ssyncset.done $0x0;
	(pc) =	sbr.rel @!p0 .LBB2_2-.Ltmp0, $4  }
0xf: {  	s9 =	sadd.s32 $0x3000, s9;
	[sflag:s8] =	ssyncadd.s32 $0xFFFFE000  }
0x10: {  	[hbm4b:s9+s3] =	stream.linear.scatter [tilespmem:s7], [sflag:$0x2], $0x2000, $0x38;
	[tilespmem:$0x2080] =	vst v63  }
0x11: {  	_ =	swait.ge [sflag:s4], $0x2000  }
0x12: {  	s10 =	sadd.s32 $0xFFFFFFFF, s10;
	[sflag:s4] =	ssyncset.done $0x0  }
.LBB2_1:
0x13: {  	p0 =	sne.s32 s10, $0x1;
	s10 =	sadd.s32 $0xFFFFFFFF, s10;
	[sflag:s4] =	ssyncadd.s32 $0xFFFFE000  }
0x14: {  	[tilespmem:s3], [sflag:$0x2] =	stream.linear.gather [hbm4b:s5+s3], $0x40, $0x38;
	[tilespmem:$0x2080] =	vst v63  }
0x15: {  	_ =	swait.ge [sflag:s4], $0x40  }
0x16: {  	[sflag:s4] =	ssyncset.done $0x0  }
0x17: {  	[sflag:s4] =	ssyncadd.s32 $0xFFFFFFC0  }
0x18: {  	[tilespmem:s7], [sflag:$0x1] =	stream.indirect.gather [hbm4b:s1+s6], $0x80, s3, s6, $0xb8;
	[tilespmem:$0x2080] =	vst v63  }
0x19: {  	_ =	swait.ge [sflag:s8], $0x2000  }
.Ltmp1:
0x1a: {  	[sflag:s8] =	ssyncset.done $0x0;
	(pc) =	sbr.rel @p0 .LBB2_1-.Ltmp1, $4  }
0x1b: {  	[sflag:s8] =	ssyncadd.s32 $0xFFFFE000  }
0x1c: {  	[hbm4b:s9+s3] =	stream.linear.scatter [tilespmem:s7], [sflag:$0x2], $0x2000, $0x38;
	[tilespmem:$0x2080] =	vst v63  }
0x1d: {  	_ =	swait.ge [sflag:s4], $0x2000  }
0x1e: {  	[sflag:s4] =	ssyncset.done $0x0  }
.LBB2_2:
0x1f: {  	[sflag:s4] =	ssyncadd.s32 $0xFFFFE000  }
0x20: {  	_ =	sfence.sel $0x180000  }
0x21: {  	[bflag:$0x0] =	sbarrier.arrive $0xFFFF  }
0x22: {  	p0 =	sne.s32 s0, $0x0;
	_ =	strace $0x90000047  }
0x23: {  	s0 =	sadd.s32 @!p0 $0x100000, s2;
	[bflag:$0x2] =	sbarrier.arrive $0xFFFF  }
0x24: {  	[sflag:s0] =	ssyncadd.tile.s32 @!p0 $0x1;
	_ =	shalt  }
.Lfunc_end2:
_tile_overlayer_lowered:
.L_overlay_start_2:
0x25: {  	(tag) =	ssettag $0x2  }
0x26: {  	s0 =	rddreg [dreg:$0x0];
	s2 =	stileid.u32  }
0x27: {  	s1 =	rddreg [dreg:$0x1];
	p0 =	sne.s32 s2, $0x0  }
0x28: {  	s3 =	rddreg [dreg:$0x2];
	[bflag:$0x3] =	sbarrier.arrive $0xFFFF;
	s2 =	simm.s32 @!p0 $0x1C02  }
0x29: {  	[timem:s3], [sflag:s2] =	dma.local @!p0 [hbm:s0], s1  }
0x2a: {  	s0 =	simm.s32 @!p0 $0x2  }
0x2b: {  	_ =	swait.ge @!p0 [sflag:s0], s1  }
0x2c: {  	s1 =	ssub.s32 @!p0 $0x0, s1;
	[sflag:s0] =	ssyncset.done @!p0 $0x0  }
0x2d: {  	[sflag:s0] =	ssyncadd.s32 @!p0 s1  }
0x2e: {  	[bflag:$0x3] =	sbarrier.arrive $0xFFFF  }
0x2f: {  	_ =	shalt  }

// kernel: kernel.13.cloned.1.call-start
scs
__scs_entry_jumppad:
0x0: {  	(pc) =	sbr.rel $0x88, $3  }
0x1: {  	(tag) =	ssettag $0x0;
	lr =	simm.s32 $0x1  }
0x2: {  	[smem:$0x3F8A] =	sst lr;
	_ =	strace $0xD0000000  }
0x3: {  	_ = 	snop  }
0x4: {  	_ = 	snop  }
0x5: {  	_ = 	snop  }
0x6: {  	_ = 	snop  }
0x7: {  	_ = 	snop  }
__scs_overlays_trampoline_lowered:
0x8: {  	[smem:$0x3F99] =	sst s0  }
0x9: {  	[smem:$0x3F9A] =	sst s1  }
0xa: {  	[smem:$0x3F9B] =	sst s2  }
0xb: {  	[smem:$0x3F9C] =	sst s3  }
0xc: {  	[smem:$0x3F9D] =	sst s4  }
0xd: {  	[smem:$0x3F9E] =	sst s5  }
0xe: {  	[smem:$0x3F9F] =	sst s6  }
0xf: {  	[smem:$0x3FA0] =	sst s7  }
0x10: {  	[smem:$0x3FA1] =	sst s8  }
0x11: {  	[smem:$0x3FA2] =	sst s9;
	s0 =	simm.s32 @!p0 $0x0  }
0x12: {  	s1 =	sld [smem:$0x3F88];
	s0 =	simm.s32 @p0 $0x1  }
0x13: {  	[smem:$0x3FA3] =	sst s0;
	s0 =	simm.s32 @!p1 $0x0  }
0x14: {  	s2 =	sld [smem:$0x3F87];
	s0 =	simm.s32 @p1 $0x1  }
0x15: {  	[smem:$0x3FA4] =	sst s0;
	s0 =	simm.s32 @!p2 $0x0  }
0x16: {  	s3 =	sld [smem:$0x3FDB];
	s0 =	simm.s32 @p2 $0x1  }
0x17: {  	s4 =	simm.s32 $0x1BF5;
	[smem:$0x3FA6] =	sst s0  }
0x18: {  	s0 =	sld [smem:$0x3F89];
	_ =	swait.ge [sflag:s4], $0x0  }
0x19: {  	s7 =	sld [smem:$0x3F8A]  }
0x1a: {  	s8 =	sadd.s32 $0xFFFFE003, lr  }
0x1b: {  	s9 =	sadd.s32 $0xFFFFFEF7, lr;
	s5 =	simm.s32 $0xFFFFFFFF;
	p2 =	slt.u32 s8, $0xFFFFF086  }
0x1c: {  	p1 =	slt.u32 s9, $0xF7A;
	s5 =	simm.s32 @!p2 $0x0  }
0x1d: {  	s5 =	simm.s32 @p1 $0x1;
	p0 =	seq.s32 s7, s2  }
0x1e: {  	s7 =	smul.u32 @!p0 $0xF7A, s2;
	p2 =	seq.s32 @!p0 s5, $0x0  }
0x1f: {  	s9 =	smul.u32 $0xF7A, s1;
	s8 =	simm.s32 @!p0 $0x1BF5;
	p2 =	por !p2, p0  }
0x20: {  	[sflag:s8] =	ssyncset.s32 @!p0 $0xFFFFF086;
	s6 =	sadd.s32 @!p0 s3, s7;
	s7 =	simm.s32 @!p0 $0x108  }
0x21: {  	s3 =	sadd.s32 s3, s9;
	s6 =	sadd.s32 @!p0 $0x88, s6;
	s7 =	simm.s32 @p2 $0x1082  }
0x22: {  	[simem:s7], [sflag:s8] =	dma.local @!p0 [hbm:s6], $0xF7A  }
0x23: {  	s9 =	sor.u32 $0xD0000000, s2;
	s6 =	simm.s32 $0x108;
	_ =	swait.ge @!p0 [sflag:s8], $0x0  }
0x24: {  	s3 =	sadd.s32 $0x88, s3;
	s6 =	simm.s32 @!p1 $0x1082;
	[sflag:s4] =	ssyncset.s32 $0xFFFFF086  }
0x25: {  	[simem:s6], [sflag:s4] =	dma.local [hbm:s3], $0xF7A  }
0x26: {  	[smem:$0x3F8A] =	sst s1;
	(tag) =	ssettag s2;
	_ =	strace s9  }
0x27: {  	s1 =	sld [smem:$0x3F9A]  }
0x28: {  	s2 =	sld [smem:$0x3F9B]  }
0x29: {  	s4 =	sld [smem:$0x3F9D]  }
0x2a: {  	p0 =	seq.s32 s5, $0x0;
	s5 =	sld [smem:$0x3F9E]  }
0x2b: {  	s6 =	sld [smem:$0x3F9F]  }
0x2c: {  	s7 =	sld [smem:$0x3FA0]  }
0x2d: {  	s3 =	simm.s32 $0x108;
	s8 =	sld [smem:$0x3FA1]  }
0x2e: {  	s3 =	simm.s32 @!p0 $0x1082;
	s9 =	sld [smem:$0x3FA2]  }
0x2f: {  	lr =	sadd.s32 s0, s3;
	s0 =	sld [smem:$0x3F99]  }
0x30: {  	s3 =	sld [smem:$0x3F9C]  }
0x31: {  	[smem:$0x3FA5] =	sst s10  }
0x32: {  	s10 =	sld [smem:$0x3FA3];
	_ =	sdelay $0x3  }
0x33: {  	p0 =	seq.s32 s10, $0x1;
	s10 =	sld [smem:$0x3FA5];
	_ =	sdelay $0x3  }
0x34: {  	[smem:$0x3FA5] =	sst s10  }
0x35: {  	s10 =	sld [smem:$0x3FA4];
	_ =	sdelay $0x3  }
0x36: {  	p1 =	seq.s32 s10, $0x1;
	s10 =	sld [smem:$0x3FA5];
	_ =	sdelay $0x3  }
0x37: {  	[smem:$0x3FA5] =	sst s10  }
0x38: {  	s10 =	sld [smem:$0x3FA6]  }
0x39: {  	_ = 	snop;
	(pc) =	sbr.ind lr, $3  }
0x3a: {  	_ = 	snop  }
0x3b: {  	_ = 	snop  }
0x3c: {  	p2 =	seq.s32 s10, $0x1;
	s10 =	sld [smem:$0x3FA5]  }
0x3d: {  	_ =	shalt  }
0x3e: {  	_ =	shalt  }
0x3f: {  	_ =	shalt  }
0x40: {  	_ =	shalt  }
0x41: {  	_ =	shalt  }
0x42: {  	_ =	shalt  }
0x43: {  	_ =	shalt  }
0x44: {  	_ =	shalt  }
0x45: {  	_ =	shalt  }
0x46: {  	_ =	shalt  }
0x47: {  	_ =	shalt  }
0x48: {  	_ =	shalt  }
0x49: {  	_ =	shalt  }
0x4a: {  	_ =	shalt  }
0x4b: {  	_ =	shalt  }
0x4c: {  	_ =	shalt  }
0x4d: {  	_ =	shalt  }
0x4e: {  	_ =	shalt  }
0x4f: {  	_ =	shalt  }
0x50: {  	_ =	shalt  }
0x51: {  	_ =	shalt  }
0x52: {  	_ =	shalt  }
0x53: {  	_ =	shalt  }
0x54: {  	_ =	shalt  }
0x55: {  	_ =	shalt  }
0x56: {  	_ =	shalt  }
0x57: {  	_ =	shalt  }
0x58: {  	_ =	shalt  }
0x59: {  	_ =	shalt  }
0x5a: {  	_ =	shalt  }
0x5b: {  	_ =	shalt  }
0x5c: {  	_ =	shalt  }
0x5d: {  	_ =	shalt  }
0x5e: {  	_ =	shalt  }
0x5f: {  	_ =	shalt  }
0x60: {  	_ =	shalt  }
0x61: {  	_ =	shalt  }
0x62: {  	_ =	shalt  }
0x63: {  	_ =	shalt  }
0x64: {  	_ =	shalt  }
0x65: {  	_ =	shalt  }
0x66: {  	_ =	shalt  }
0x67: {  	_ =	shalt  }
0x68: {  	_ =	shalt  }
0x69: {  	_ =	shalt  }
0x6a: {  	_ =	shalt  }
0x6b: {  	_ =	shalt  }
0x6c: {  	_ =	shalt  }
0x6d: {  	_ =	shalt  }
0x6e: {  	_ =	shalt  }
0x6f: {  	_ =	shalt  }
0x70: {  	_ =	shalt  }
0x71: {  	_ =	shalt  }
0x72: {  	_ =	shalt  }
0x73: {  	_ =	shalt  }
0x74: {  	_ =	shalt  }
0x75: {  	_ =	shalt  }
0x76: {  	_ =	shalt  }
0x77: {  	_ =	shalt  }
0x78: {  	_ =	shalt  }
0x79: {  	_ =	shalt  }
0x7a: {  	_ =	shalt  }
0x7b: {  	_ =	shalt  }
0x7c: {  	_ =	shalt  }
0x7d: {  	_ =	shalt  }
0x7e: {  	_ =	shalt  }
0x7f: {  	_ =	shalt  }
0x80: {  	_ =	shalt  }
0x81: {  	_ =	shalt  }
0x82: {  	_ =	shalt  }
0x83: {  	_ =	shalt  }
0x84: {  	_ =	shalt  }
0x85: {  	_ =	shalt  }
0x86: {  	_ =	shalt  }
0x87: {  	_ =	shalt  }
.Lfunc_end0:
.L_simem_size_0:
called_computation.1_lowered:
.L_overlay_start_0:
0x88: {  	s2 =	sld [smem:$0x3FD9]  }
0x89: {  	s3 =	sld [smem:$0x3FFE];
	_ =	sdelay $0x1  }
0x8a: {  	s1 =	srdreg.scid  }
0x8b: {  	s0 =	sand.u32 $0x1, s1  }
0x8c: {  	s17 =	sshll.u32 s0, $0xA;
	s2 =	sadd.s32 s3, s2  }
0x8d: {  	s2 =	sadd.s32 s2, s17  }
0x8e: {  	[smem:$0x3FB1] =	sst s2  }
0x8f: {  	_ = 	snop  }
0x90: {  	s2 =	sld [smem:$0x3FC9]  }
0x91: {  	s18 =	sld [smem:$0x3FC8]  }
0x92: {  	s4 =	sld [smem:$0x3FD0];
	(tm) =	ssettm $0x1  }
0x93: {  	s5 =	sld [smem:$0x3FFB];
	_ =	sdelay $0x3  }
0x94: {  	_ =	strace s5  }
0x95: {  	s5 =	sld [smem:$0x3FFC];
	_ =	sdelay $0x3  }
0x96: {  	_ =	strace s5  }
0x97: {  	s5 =	sld [smem:$0x3FFD];
	_ =	sdelay $0x3  }
0x98: {  	_ =	strace s5  }
0x99: {  	_ =	strace $0x8FFFFFFF  }
0x9a: {  	s19 =	sld [smem:$0x3FDB];
	_ =	sdelay $0x1  }
0x9b: {  	s6 =	simm.s32 $_scs_section_size  }
0x9c: {  	s7 =	simm.s32 $_size__tile_overlayer_lowered;
	s8 =	simm.s32 $_tile_overlayer_lowered  }
0x9d: {  	s22 =	simm.s32 $0x1BFF;
	s21 =	sshll.u32 s8, $0x1;
	s5 =	sadd.s32 s6, s19  }
0x9e: {  	s9 =	simm.s32 $0x0;
	s20 =	sshll.u32 s7, $0x1;
	s7 =	sadd.s32 s21, s5  }
0x9f: {  	[timem:s9], [sflag:s22] =	dma.local [hbm:s7], s20  }
0xa0: {  	_ =	swait.ge [sflag:s22], s20  }
0xa1: {  	s6 =	ssub.s32 $0x0, s20;
	[sflag:s22] =	ssyncset.done $0x0  }
0xa2: {  	[sflag:s22] =	ssyncadd.s32 s6;
	_ =	sdelay $0x1  }
0xa3: {  	s23 =	simm.s32 $0x1B8B  }
0xa4: {  	_ =	swait.ge [sflag:s23], $0x1  }
0xa5: {  	[sflag:s23] =	ssyncset.done $0x0  }
0xa6: {  	s25 =	simm.s32 $0x1B8E;
	s24 =	sld [smem:$0x3FFE];
	[sflag:s23] =	ssyncadd.s32 $0xFFFFFFFF  }
0xa7: {  	s26 =	simm.s32 $execute0_lowered;
	[smem:$0x3FD2] =	sst s25  }
0xa8: {  	s7 =	sshll.u32 s26, $0x1;
	_ =	strace $0x80000049;
	[dreg:$0x1] =	wrdreg $0xFFFFFFFF  }
0xa9: {  	s28 =	simm.s32 $_size_execute0_lowered;
	s5 =	sadd.s32 s5, s7;
	[dreg:$0x0] =	wrdreg $0x0  }
0xaa: {  	s7 =	sshll.u32 s28, $0x1;
	[dreg:$0x2] =	wrdreg s5  }
0xab: {  	[dreg:$0x3] =	wrdreg s7  }
0xac: {  	[dreg:$0x4] =	wrdreg $0xC0  }
0xad: {  	_ =	task [dreg:s9], $0x5FFFF  }
0xae: {  	[dreg:$0x1] =	wrdreg $0xFFFFFFFF  }
0xaf: {  	[dreg:$0x0] =	wrdreg $0x60  }
0xb0: {  	[dreg:$0x2] =	wrdreg s2  }
0xb1: {  	[dreg:$0x3] =	wrdreg s18  }
0xb2: {  	[dreg:$0x4] =	wrdreg s24  }
0xb3: {  	[dreg:$0x5] =	wrdreg s4  }
0xb4: {  	[dreg:$0x6] =	wrdreg $0x9  }
0xb5: {  	_ =	task.clear_ibuf [dreg:s9], $0x7FFFF;
	_ =	strace $0x90000049  }
0xb6: {  	s29 =	simm.s32 $0x9;
	_ =	strace $0x8000004B  }
0xb7: {  	_ =	swait.ge [sflag:s29], $0x1  }
0xb8: {  	[sflag:s29] =	ssyncadd.s32 $0xFFFFFFFF  }
0xb9: {  	_ =	strace $0x9000004B  }
0xba: {  	_ =	sfence  }
0xbb: {  	s30 =	sld [smem:$0x0];
	_ =	sdelay $0x2  }
0xbc: {  	s31 =	sshll.u32 s1, $0xD;
	s1 =	sshrl.u32 s1, $0x2  }
0xbd: {  	s3 =	sand.u32 $0x4000, s31;
	s1 =	sadd.s32 s1, s30  }
0xbe: {  	s0 =	sor.u32 s3, s0;
	s1 =	sshll.u32 s1, $0x11  }
0xbf: {  	s0 =	sor.u32 s1, s0  }
0xc0: {  	s0 =	sadd.s32 $0x8F2B, s0  }
0xc1: {  	[sflag:s0] =	ssyncadd.remote.s32 $0x1  }
0xc2: {  	_ =	sfence.sel $0xFFFF  }
0xc3: {  	[dreg:$0x0] =	wrdreg $0xFFFFFFFF;
	(pc) =	sbr.abs _section_cstart, $3  }
0xc4: {  	[dreg:$0x1] =	wrdreg $0xFFFFFFFF  }
0xc5: {  	_ =	task.clear_ibuf [dreg:s9], $0x2FFFF;
	_ =	strace $0x9FFFFFFF  }
0xc6: {  	(tm) =	ssettm $0x7FFFFFFF  }
0xc7: {  	_ =	shalt  }
tec
execute0_lowered:
.L_overlay_start_1:
0x0: {  	(tag) =	ssettag $0x1  }
0x1: {  	s1 =	rddreg [dreg:$0x0]  }
0x2: {  	s2 =	rddreg [dreg:$0x1]  }
0x3: {  	s4 =	rddreg [dreg:$0x2]  }
0x4: {  	s3 =	srdreg.scid;
	s6 =	rddreg [dreg:$0x3]  }
0x5: {  	[dreg:$0x5] =	wrdreg s2;
	s2 =	sand.u32 $0x1, s3;
	s3 =	simm.s32 $0x0  }
0x6: {  	s17 =	simm.s32 $0x800;
	[smem:$0x7FF] =	sst s3  }
0x7: {  	s18 =	simm.s32 $0x1100;
	_ =	strace $0x8000004A;
	[dreg:$0xa] =	wrdreg s17  }
0x8: {  	s19 =	simm.s32 $0x1900;
	[dreg:$0xb] =	wrdreg s18  }
0x9: {  	s20 =	simm.s32 $0x2100;
	[dreg:$0xc] =	wrdreg s19  }
0xa: {  	s21 =	simm.s32 $0x2900;
	[dreg:$0xd] =	wrdreg s20  }
0xb: {  	s22 =	simm.s32 $0x3100;
	[dreg:$0xe] =	wrdreg s21  }
0xc: {  	s23 =	simm.s32 $0x3900;
	[dreg:$0xf] =	wrdreg s22  }
0xd: {  	s24 =	simm.s32 $0x4100;
	[dreg:$0x10] =	wrdreg s23  }
0xe: {  	s25 =	simm.s32 $0x4900;
	[dreg:$0x11] =	wrdreg s24  }
0xf: {  	s0 =	stileid.u32;
	s26 =	simm.s32 $0x5100;
	[dreg:$0x12] =	wrdreg s25  }
0x10: {  	s11 =	sshll.u32 s0, $0x1;
	s0 =	simm.s32 $0x5900;
	[dreg:$0x13] =	wrdreg s26  }
0x11: {  	s9 =	simm.s32 $0x8100;
	[dreg:$0x14] =	wrdreg s0  }
0x12: {  	s10 =	simm.s32 $0x9100;
	[dreg:$0x19] =	wrdreg s9  }
0x13: {  	s5 =	sor.u32 s2, s11;
	s11 =	simm.s32 $0x9900;
	[dreg:$0x1a] =	wrdreg s10  }
0x14: {  	s28 =	simm.s32 $0x2;
	[dreg:$0x1b] =	wrdreg s11;
	s17 =	simm.s32 $0xC100  }
0x15: {  	s29 =	simm.s32 $0x3;
	s18 =	simm.s32 $0xC900;
	[smem:$0x7F4] =	sst s17  }
0x16: {  	s30 =	simm.s32 $0x4;
	s19 =	simm.s32 $0xD100;
	[smem:$0x7F5] =	sst s18  }
0x17: {  	s31 =	simm.s32 $0x5;
	s20 =	simm.s32 $0xD900;
	[smem:$0x7F6] =	sst s19  }
0x18: {  	s2 =	ssub.s32 $0x2, s2;
	s21 =	simm.s32 $0xE100;
	[smem:$0x7F7] =	sst s20  }
0x19: {  	s7 =	smul.u32 $0xC, s5;
	s22 =	simm.s32 $0xE900;
	[smem:$0x7F8] =	sst s21  }
0x1a: {  	s8 =	smul.u32 $0x18000, s5;
	s23 =	simm.s32 $0xF100;
	[smem:$0x7F9] =	sst s22  }
0x1b: {  	s5 =	smul.u32 $0x3000, s5;
	s24 =	simm.s32 $0xF900;
	[smem:$0x7FA] =	sst s23  }
0x1c: {  	s9 =	simm.s32 $0x900;
	s25 =	simm.s32 $0x10100;
	[smem:$0x7FB] =	sst s24  }
0x1d: {  	s10 =	simm.s32 $0x8900;
	s26 =	simm.s32 $0x11100;
	[smem:$0x7FC] =	sst s25  }
0x1e: {  	s11 =	simm.s32 $0x10900;
	[smem:$0x7FD] =	sst s26;
	s17 =	simm.s32 $0x14100  }
0x1f: {  	s18 =	simm.s32 $0x14900;
	s19 =	simm.s32 $0x15100;
	s20 =	simm.s32 $0x15900  }
0x20: {  	s21 =	simm.s32 $0x16100;
	s22 =	simm.s32 $0x16900;
	s13 =	sadd.s32 s6, s5  }
0x21: {  	s23 =	simm.s32 $0x17100;
	s5 =	simm.s32 $0x6100;
	[dreg:$0x7] =	wrdreg s13  }
0x22: {  	s4 =	sadd.s32 s7, s4;
	s7 =	simm.s32 $0x7100;
	[dreg:$0x15] =	wrdreg s5  }
0x23: {  	s12 =	sshrl.u32 s8, $0x3;
	s8 =	simm.s32 $0x7900;
	[dreg:$0x17] =	wrdreg s7  }
0x24: {  	s24 =	simm.s32 $0x17900;
	s4 =	sadd.s32 $0x3000, s4;
	[dreg:$0x18] =	wrdreg s8  }
0x25: {  	s14 =	sadd.s32 s6, s12;
	s6 =	simm.s32 $0x6900;
	[dreg:$0x6] =	wrdreg s4  }
0x26: {  	s25 =	simm.s32 $0x18100;
	s12 =	simm.s32 $0xA100;
	[dreg:$0x16] =	wrdreg s6  }
0x27: {  	s26 =	simm.s32 $0x1;
	s13 =	simm.s32 $0xA900;
	[dreg:$0x1c] =	wrdreg s12  }
0x28: {  	s5 =	sadd.s32 $0x200, s1;
	s15 =	sadd.s32 $0x1000, s14;
	[dreg:$0x1d] =	wrdreg s13  }
0x29: {  	s8 =	simm.s32 $0x7;
	s16 =	sadd.s32 $0x2000, s14;
	[dreg:$0x8] =	wrdreg s15  }
0x2a: {  	s14 =	simm.s32 $0xB100;
	s4 =	sadd.s32 $0x100, s1;
	[dreg:$0x9] =	wrdreg s16  }
0x2b: {  	s6 =	sadd.s32 $0x300, s1;
	s13 =	simm.s32 $0x12100;
	[dreg:$0x1e] =	wrdreg s14  }
0x2c: {  	v2 =	vlaneseq.u32;
	s15 =	simm.s32 $0xB900;
	s16 =	sshrl.u32 s2, $0x1;
	s14 =	simm.s32 $0x12900  }
0x2d: {  	vm0 =	vmmov $0xffff;
	v1 =	vshrl.u32 v2, $0x3;
	[dreg:$0x1f] =	wrdreg s15;
	s2 =	ssub.s32 s2, s16;
	s15 =	simm.s32 $0x13100  }
0x2e: {  	v0 =	vand.u32 $0x7, v2;
	v2 =	vor.u32 $0x8, v2;
	v1 =	vmul.u32 $0x8, v1;
	s16 =	simm.s32 $0x13900;
	s7 =	smax.u32 s2, $0x1;
	s2 =	simm.s32 $0x6  }
.LBB2_1:
0x2f: {  	s0 =	rddreg [dreg:$0x5]  }
0x30: {  	[tilespmem:s3], [sflag:$0x7] =	stream.linear.gather [hbm4b:s0+s3], $0x800, $0x38;
	[tilespmem:$0x18900] =	vst v63  }
0x31: {  	_ =	swait.ge [sflag:s8], $0x800  }
0x32: {  	s0 =	rddreg [dreg:$0x6];
	[sflag:s8] =	ssyncset.done $0x0  }
0x33: {  	s12 =	rddreg [dreg:$0xa];
	[sflag:s8] =	ssyncadd.s32 $0xFFFFF800  }
0x34: {  	[tilespmem:s12], [sflag:$0x7] =	stream.linear.gather [hbm4b:s0+s3], $0x60, $0x38;
	[tilespmem:$0x18900] =	vst v63  }
0x35: {  	_ =	swait.ge [sflag:s8], $0x60  }
0x36: {  	[sflag:s8] =	ssyncset.done $0x0  }
0x37: {  	[sflag:s8] =	ssyncadd.s32 $0xFFFFFFA0  }
0x38: {  	v3 =	vld [tilespmem:$0x800];
	_ =	sdelay $0x5  }
0x39: {  	v4 =	vld [tilespmem:$0x810];
	_ =	sdelay $0x1  }
0x3a: {  	v3 =	vld.idx.msk [tilespmem:v3+s3+$0x0], $0xffff;
	_ =	sdelay $0x3  }
0x3b: {  	v5 =	vld [tilespmem:$0x820]  }
0x3c: {  	[tilespmem:$0x880] =	vst v3  }
0x3d: {  	v4 =	vld.idx.msk [tilespmem:v4+s3+$0x0], $0xffff;
	_ =	sdelay $0x3  }
0x3e: {  	v6 =	vld [tilespmem:$0x830]  }
0x3f: {  	[tilespmem:$0x890] =	vst v4  }
0x40: {  	v4 =	vld.idx.msk [tilespmem:v5+s3+$0x0], $0xffff;
	_ =	sdelay $0x3  }
0x41: {  	v54 =	vld [tilespmem:$0x840]  }
0x42: {  	[tilespmem:$0x8A0] =	vst v4  }
0x43: {  	v4 =	vld.idx.msk [tilespmem:v6+s3+$0x0], $0xffff;
	_ =	sdelay $0x3  }
0x44: {  	v55 =	vld [tilespmem:$0x850]  }
0x45: {  	[tilespmem:$0x8B0] =	vst v4  }
0x46: {  	v4 =	vld.idx.msk [tilespmem:v54+s3+$0x0], $0xffff;
	_ =	sdelay $0x1  }
0x47: {  	v56 =	vshll.u32 v3, $0x3  }
0x48: {  	v3 =	vand.u32 $0x7, v3;
	v5 =	vand.u32 $0xFFFFFFC0, v56  }
0x49: {  	v3 =	vor.u32 v3, v5  }
0x4a: {  	v57 =	vperm.xlane v3, v0;
	[tilespmem:$0x8C0] =	vst v4  }
0x4b: {  	v58 =	vld.idx.msk [tilespmem:v55+s3+$0x0], $0xffff  }
0x4c: {  	v4 =	vadd.s32 v1, v57;
	_ =	sdelay $0x3  }
0x4d: {  	[tilespmem:$0x8D0] =	vst v58  }
0x4e: {  	[tilespmem:s9], [sflag:$0x1] =	stream.indirect_vreg.gather [hbm4b:s1+s3], $0x80, v4, vm0, $0xb8;
	[tilespmem:$0x18900] =	vst v63  }
0x4f: {  	s0 =	rddreg [dreg:$0xb];
	v3 =	vperm.xlane v3, v2  }
0x50: {  	[tilespmem:s0], [sflag:$0x1] =	stream.indirect_vreg.gather [hbm4b:s4+s3], $0x80, v4, vm0, $0xb8;
	[tilespmem:$0x18900] =	vst v63  }
0x51: {  	s12 =	rddreg [dreg:$0xc];
	v3 =	vadd.s32 v1, v3  }
0x52: {  	[tilespmem:s12], [sflag:$0x1] =	stream.indirect_vreg.gather [hbm4b:s5+s3], $0x80, v4, vm0, $0xb8;
	[tilespmem:$0x18900] =	vst v63  }
0x53: {  	s0 =	rddreg [dreg:$0xd]  }
0x54: {  	[tilespmem:s0], [sflag:$0x1] =	stream.indirect_vreg.gather [hbm4b:s6+s3], $0x80, v4, vm0, $0xb8;
	[tilespmem:$0x18900] =	vst v63  }
0x55: {  	s12 =	rddreg [dreg:$0xe]  }
0x56: {  	[tilespmem:s12], [sflag:$0x1] =	stream.indirect_vreg.gather [hbm4b:s1+s3], $0x80, v3, vm0, $0xb8;
	[tilespmem:$0x18900] =	vst v63  }
0x57: {  	s0 =	rddreg [dreg:$0xf]  }
0x58: {  	[tilespmem:s0], [sflag:$0x1] =	stream.indirect_vreg.gather [hbm4b:s4+s3], $0x80, v3, vm0, $0xb8;
	[tilespmem:$0x18900] =	vst v63  }
0x59: {  	s12 =	rddreg [dreg:$0x10]  }
0x5a: {  	[tilespmem:s12], [sflag:$0x1] =	stream.indirect_vreg.gather [hbm4b:s5+s3], $0x80, v3, vm0, $0xb8;
	[tilespmem:$0x18900] =	vst v63  }
0x5b: {  	s0 =	rddreg [dreg:$0x11]  }
0x5c: {  	[tilespmem:s0], [sflag:$0x1] =	stream.indirect_vreg.gather [hbm4b:s6+s3], $0x80, v3, vm0, $0xb8;
	[tilespmem:$0x18900] =	vst v63  }
0x5d: {  	v3 =	vld [tilespmem:$0x890];
	_ =	sdelay $0x4  }
0x5e: {  	v59 =	vshll.u32 v3, $0x3  }
0x5f: {  	v3 =	vand.u32 $0x7, v3;
	v4 =	vand.u32 $0xFFFFFFC0, v59  }
0x60: {  	v3 =	vor.u32 v3, v4  }
0x61: {  	v4 =	vperm.xlane v3, v0;
	_ =	sdelay $0x1  }
0x62: {  	v4 =	vadd.s32 v1, v4;
	_ =	sdelay $0x3  }
0x63: {  	s0 =	rddreg [dreg:$0x12]  }
0x64: {  	[tilespmem:s0], [sflag:$0x1] =	stream.indirect_vreg.gather [hbm4b:s1+s3], $0x80, v4, vm0, $0xb8;
	[tilespmem:$0x18900] =	vst v63  }
0x65: {  	s12 =	rddreg [dreg:$0x13];
	v3 =	vperm.xlane v3, v2  }
0x66: {  	[tilespmem:s12], [sflag:$0x1] =	stream.indirect_vreg.gather [hbm4b:s4+s3], $0x80, v4, vm0, $0xb8;
	[tilespmem:$0x18900] =	vst v63  }
0x67: {  	v3 =	vadd.s32 v1, v3;
	s0 =	rddreg [dreg:$0x14]  }
0x68: {  	[tilespmem:s0], [sflag:$0x1] =	stream.indirect_vreg.gather [hbm4b:s5+s3], $0x80, v4, vm0, $0xb8;
	[tilespmem:$0x18900] =	vst v63  }
0x69: {  	s12 =	rddreg [dreg:$0x15]  }
0x6a: {  	[tilespmem:s12], [sflag:$0x1] =	stream.indirect_vreg.gather [hbm4b:s6+s3], $0x80, v4, vm0, $0xb8;
	[tilespmem:$0x18900] =	vst v63  }
0x6b: {  	s0 =	rddreg [dreg:$0x16]  }
0x6c: {  	[tilespmem:s0], [sflag:$0x1] =	stream.indirect_vreg.gather [hbm4b:s1+s3], $0x80, v3, vm0, $0xb8;
	[tilespmem:$0x18900] =	vst v63  }
0x6d: {  	s12 =	rddreg [dreg:$0x17]  }
0x6e: {  	[tilespmem:s12], [sflag:$0x1] =	stream.indirect_vreg.gather [hbm4b:s4+s3], $0x80, v3, vm0, $0xb8;
	[tilespmem:$0x18900] =	vst v63  }
0x6f: {  	s0 =	rddreg [dreg:$0x18]  }
0x70: {  	[tilespmem:s0], [sflag:$0x1] =	stream.indirect_vreg.gather [hbm4b:s5+s3], $0x80, v3, vm0, $0xb8;
	[tilespmem:$0x18900] =	vst v63  }
0x71: {  	s12 =	rddreg [dreg:$0x19]  }
0x72: {  	[tilespmem:s12], [sflag:$0x1] =	stream.indirect_vreg.gather [hbm4b:s6+s3], $0x80, v3, vm0, $0xb8;
	[tilespmem:$0x18900] =	vst v63  }
0x73: {  	v3 =	vld [tilespmem:$0x8A0];
	_ =	sdelay $0x4  }
0x74: {  	v60 =	vshll.u32 v3, $0x3  }
0x75: {  	v3 =	vand.u32 $0x7, v3;
	v4 =	vand.u32 $0xFFFFFFC0, v60  }
0x76: {  	v3 =	vor.u32 v3, v4  }
0x77: {  	v4 =	vperm.xlane v3, v0;
	_ =	sdelay $0x1  }
0x78: {  	v4 =	vadd.s32 v1, v4;
	_ =	sdelay $0x3  }
0x79: {  	s0 =	rddreg [dreg:$0x1a]  }
0x7a: {  	[tilespmem:s10], [sflag:$0x2] =	stream.indirect_vreg.gather [hbm4b:s1+s3], $0x80, v4, vm0, $0xb8;
	[tilespmem:$0x18900] =	vst v63  }
0x7b: {  	s12 =	rddreg [dreg:$0x1b];
	v3 =	vperm.xlane v3, v2  }
0x7c: {  	[tilespmem:s0], [sflag:$0x2] =	stream.indirect_vreg.gather [hbm4b:s4+s3], $0x80, v4, vm0, $0xb8;
	[tilespmem:$0x18900] =	vst v63  }
0x7d: {  	v3 =	vadd.s32 v1, v3;
	s0 =	rddreg [dreg:$0x1c]  }
0x7e: {  	[tilespmem:s12], [sflag:$0x2] =	stream.indirect_vreg.gather [hbm4b:s5+s3], $0x80, v4, vm0, $0xb8;
	[tilespmem:$0x18900] =	vst v63  }
0x7f: {  	s12 =	rddreg [dreg:$0x1d]  }
0x80: {  	[tilespmem:s0], [sflag:$0x2] =	stream.indirect_vreg.gather [hbm4b:s6+s3], $0x80, v4, vm0, $0xb8;
	[tilespmem:$0x18900] =	vst v63  }
0x81: {  	s0 =	rddreg [dreg:$0x1e]  }
0x82: {  	[tilespmem:s12], [sflag:$0x2] =	stream.indirect_vreg.gather [hbm4b:s1+s3], $0x80, v3, vm0, $0xb8;
	[tilespmem:$0x18900] =	vst v63  }
0x83: {  	s12 =	rddreg [dreg:$0x1f]  }
0x84: {  	[tilespmem:s0], [sflag:$0x2] =	stream.indirect_vreg.gather [hbm4b:s4+s3], $0x80, v3, vm0, $0xb8;
	[tilespmem:$0x18900] =	vst v63  }
0x85: {  	s0 =	sld [smem:$0x7F4]  }
0x86: {  	[tilespmem:s12], [sflag:$0x2] =	stream.indirect_vreg.gather [hbm4b:s5+s3], $0x80, v3, vm0, $0xb8;
	[tilespmem:$0x18900] =	vst v63  }
0x87: {  	_ = 	snop  }
0x88: {  	[tilespmem:s0], [sflag:$0x2] =	stream.indirect_vreg.gather [hbm4b:s6+s3], $0x80, v3, vm0, $0xb8;
	[tilespmem:$0x18900] =	vst v63  }
0x89: {  	v3 =	vld [tilespmem:$0x8B0];
	_ =	sdelay $0x4  }
0x8a: {  	v61 =	vshll.u32 v3, $0x3  }
0x8b: {  	v3 =	vand.u32 $0x7, v3;
	v4 =	vand.u32 $0xFFFFFFC0, v61  }
0x8c: {  	v3 =	vor.u32 v3, v4  }
0x8d: {  	v4 =	vperm.xlane v3, v0;
	_ =	sdelay $0x1  }
0x8e: {  	v4 =	vadd.s32 v1, v4;
	_ =	sdelay $0x1  }
0x8f: {  	s0 =	sld [smem:$0x7F5];
	_ =	sdelay $0x1  }
0x90: {  	s12 =	sld [smem:$0x7F6]  }
0x91: {  	[tilespmem:s0], [sflag:$0x2] =	stream.indirect_vreg.gather [hbm4b:s1+s3], $0x80, v4, vm0, $0xb8;
	[tilespmem:$0x18900] =	vst v63  }
0x92: {  	v3 =	vperm.xlane v3, v2;
	s0 =	sld [smem:$0x7F7]  }
0x93: {  	[tilespmem:s12], [sflag:$0x2] =	stream.indirect_vreg.gather [hbm4b:s4+s3], $0x80, v4, vm0, $0xb8;
	[tilespmem:$0x18900] =	vst v63  }
0x94: {  	v3 =	vadd.s32 v1, v3;
	s12 =	sld [smem:$0x7F8]  }
0x95: {  	[tilespmem:s0], [sflag:$0x2] =	stream.indirect_vreg.gather [hbm4b:s5+s3], $0x80, v4, vm0, $0xb8;
	[tilespmem:$0x18900] =	vst v63  }
0x96: {  	s0 =	sld [smem:$0x7F9]  }
0x97: {  	[tilespmem:s12], [sflag:$0x2] =	stream.indirect_vreg.gather [hbm4b:s6+s3], $0x80, v4, vm0, $0xb8;
	[tilespmem:$0x18900] =	vst v63  }
0x98: {  	s12 =	sld [smem:$0x7FA]  }
0x99: {  	[tilespmem:s0], [sflag:$0x2] =	stream.indirect_vreg.gather [hbm4b:s1+s3], $0x80, v3, vm0, $0xb8;
	[tilespmem:$0x18900] =	vst v63  }
0x9a: {  	s0 =	sld [smem:$0x7FB]  }
0x9b: {  	[tilespmem:s12], [sflag:$0x2] =	stream.indirect_vreg.gather [hbm4b:s4+s3], $0x80, v3, vm0, $0xb8;
	[tilespmem:$0x18900] =	vst v63  }
0x9c: {  	s12 =	sld [smem:$0x7FC]  }
0x9d: {  	[tilespmem:s0], [sflag:$0x2] =	stream.indirect_vreg.gather [hbm4b:s5+s3], $0x80, v3, vm0, $0xb8;
	[tilespmem:$0x18900] =	vst v63  }
0x9e: {  	_ = 	snop  }
0x9f: {  	[tilespmem:s12], [sflag:$0x2] =	stream.indirect_vreg.gather [hbm4b:s6+s3], $0x80, v3, vm0, $0xb8;
	[tilespmem:$0x18900] =	vst v63  }
0xa0: {  	v3 =	vld [tilespmem:$0x8C0];
	_ =	sdelay $0x4  }
0xa1: {  	v62 =	vshll.u32 v3, $0x3  }
0xa2: {  	v3 =	vand.u32 $0x7, v3;
	v4 =	vand.u32 $0xFFFFFFC0, v62  }
0xa3: {  	v3 =	vor.u32 v3, v4  }
0xa4: {  	v4 =	vperm.xlane v3, v0;
	_ =	sdelay $0x1  }
0xa5: {  	v4 =	vadd.s32 v1, v4;
	_ =	sdelay $0x3  }
0xa6: {  	s12 =	sld [smem:$0x7FD]  }
0xa7: {  	[tilespmem:s11], [sflag:$0x3] =	stream.indirect_vreg.gather [hbm4b:s1+s3], $0x80, v4, vm0, $0xb8;
	[tilespmem:$0x18900] =	vst v63  }
0xa8: {  	v3 =	vperm.xlane v3, v2  }
0xa9: {  	[tilespmem:s12], [sflag:$0x3] =	stream.indirect_vreg.gather [hbm4b:s4+s3], $0x80, v4, vm0, $0xb8;
	[tilespmem:$0x18900] =	vst v63  }
0xaa: {  	v3 =	vadd.s32 v1, v3;
	s12 =	simm.s32 $0x11900  }
0xab: {  	[tilespmem:s12], [sflag:$0x3] =	stream.indirect_vreg.gather [hbm4b:s5+s3], $0x80, v4, vm0, $0xb8;
	[tilespmem:$0x18900] =	vst v63  }
0xac: {  	_ = 	snop  }
0xad: {  	[tilespmem:s13], [sflag:$0x3] =	stream.indirect_vreg.gather [hbm4b:s6+s3], $0x80, v4, vm0, $0xb8;
	[tilespmem:$0x18900] =	vst v63  }
0xae: {  	_ = 	snop  }
0xaf: {  	[tilespmem:s14], [sflag:$0x3] =	stream.indirect_vreg.gather [hbm4b:s1+s3], $0x80, v3, vm0, $0xb8;
	[tilespmem:$0x18900] =	vst v63  }
0xb0: {  	_ = 	snop  }
0xb1: {  	[tilespmem:s15], [sflag:$0x3] =	stream.indirect_vreg.gather [hbm4b:s4+s3], $0x80, v3, vm0, $0xb8;
	[tilespmem:$0x18900] =	vst v63  }
0xb2: {  	_ = 	snop  }
0xb3: {  	[tilespmem:s16], [sflag:$0x3] =	stream.indirect_vreg.gather [hbm4b:s5+s3], $0x80, v3, vm0, $0xb8;
	[tilespmem:$0x18900] =	vst v63  }
0xb4: {  	_ = 	snop  }
0xb5: {  	[tilespmem:s17], [sflag:$0x3] =	stream.indirect_vreg.gather [hbm4b:s6+s3], $0x80, v3, vm0, $0xb8;
	[tilespmem:$0x18900] =	vst v63  }
0xb6: {  	v3 =	vld [tilespmem:$0x8D0];
	_ =	sdelay $0x4  }
0xb7: {  	v63 =	vshll.u32 v3, $0x3  }
0xb8: {  	v3 =	vand.u32 $0x7, v3;
	v4 =	vand.u32 $0xFFFFFFC0, v63  }
0xb9: {  	v3 =	vor.u32 v3, v4  }
0xba: {  	v4 =	vperm.xlane v3, v0;
	_ =	sdelay $0x1  }
0xbb: {  	v4 =	vadd.s32 v1, v4;
	_ =	sdelay $0x4  }
0xbc: {  	[tilespmem:s18], [sflag:$0x3] =	stream.indirect_vreg.gather [hbm4b:s1+s3], $0x80, v4, vm0, $0xb8;
	[tilespmem:$0x18900] =	vst v63  }
0xbd: {  	v3 =	vperm.xlane v3, v2  }
0xbe: {  	[tilespmem:s19], [sflag:$0x3] =	stream.indirect_vreg.gather [hbm4b:s4+s3], $0x80, v4, vm0, $0xb8;
	[tilespmem:$0x18900] =	vst v63  }
0xbf: {  	v3 =	vadd.s32 v1, v3  }
0xc0: {  	[tilespmem:s20], [sflag:$0x3] =	stream.indirect_vreg.gather [hbm4b:s5+s3], $0x80, v4, vm0, $0xb8;
	[tilespmem:$0x18900] =	vst v63  }
0xc1: {  	_ = 	snop  }
0xc2: {  	[tilespmem:s21], [sflag:$0x3] =	stream.indirect_vreg.gather [hbm4b:s6+s3], $0x80, v4, vm0, $0xb8;
	[tilespmem:$0x18900] =	vst v63  }
0xc3: {  	_ = 	snop  }
0xc4: {  	[tilespmem:s22], [sflag:$0x3] =	stream.indirect_vreg.gather [hbm4b:s1+s3], $0x80, v3, vm0, $0xb8;
	[tilespmem:$0x18900] =	vst v63  }
0xc5: {  	_ = 	snop  }
0xc6: {  	[tilespmem:s23], [sflag:$0x3] =	stream.indirect_vreg.gather [hbm4b:s4+s3], $0x80, v3, vm0, $0xb8;
	[tilespmem:$0x18900] =	vst v63  }
0xc7: {  	_ = 	snop  }
0xc8: {  	[tilespmem:s24], [sflag:$0x3] =	stream.indirect_vreg.gather [hbm4b:s5+s3], $0x80, v3, vm0, $0xb8;
	[tilespmem:$0x18900] =	vst v63  }
0xc9: {  	_ = 	snop  }
0xca: {  	[tilespmem:s25], [sflag:$0x3] =	stream.indirect_vreg.gather [hbm4b:s6+s3], $0x80, v3, vm0, $0xb8;
	[tilespmem:$0x18900] =	vst v63  }
0xcb: {  	_ =	swait.ge [sflag:s26], $0x8000  }
0xcc: {  	[sflag:s26] =	ssyncset.done $0x0  }
0xcd: {  	s12 =	rddreg [dreg:$0x7];
	[sflag:s26] =	ssyncadd.s32 $0xFFFF8000  }
0xce: {  	[hbm4b:s12+s3] =	stream.linear.scatter [tilespmem:s9], [sflag:$0x4], $0x8000, $0x38;
	[tilespmem:$0x18900] =	vst v63  }
0xcf: {  	_ =	swait.ge [sflag:s28], $0x8000  }
0xd0: {  	[sflag:s28] =	ssyncset.done $0x0  }
0xd1: {  	s12 =	rddreg [dreg:$0x8];
	[sflag:s28] =	ssyncadd.s32 $0xFFFF8000  }
0xd2: {  	[hbm4b:s12+s3] =	stream.linear.scatter [tilespmem:s10], [sflag:$0x5], $0x8000, $0x38;
	[tilespmem:$0x18900] =	vst v63  }
0xd3: {  	_ =	swait.ge [sflag:s29], $0x8000  }
0xd4: {  	[sflag:s29] =	ssyncset.done $0x0  }
0xd5: {  	s12 =	rddreg [dreg:$0x9];
	[sflag:s29] =	ssyncadd.s32 $0xFFFF8000  }
0xd6: {  	[hbm4b:s12+s3] =	stream.linear.scatter [tilespmem:s11], [sflag:$0x6], $0x8000, $0x38;
	[tilespmem:$0x18900] =	vst v63  }
0xd7: {  	_ =	swait.ge [sflag:s30], $0x8000  }
0xd8: {  	[sflag:s30] =	ssyncset.done $0x0  }
0xd9: {  	[sflag:s30] =	ssyncadd.s32 $0xFFFF8000  }
0xda: {  	p0 =	sne.s32 s7, $0x1;
	_ =	swait.ge [sflag:s31], $0x8000  }
.Ltmp0:
0xdb: {  	[sflag:s31] =	ssyncset.done $0x0;
	(pc) =	sbr.rel @p0 .LBB2_1-.Ltmp0, $4  }
0xdc: {  	[sflag:s31] =	ssyncadd.s32 $0xFFFF8000  }
0xdd: {  	_ =	swait.ge [sflag:s2], $0x8000  }
0xde: {  	[sflag:s2] =	ssyncset.done $0x0  }
0xdf: {  	s7 =	sadd.s32 $0xFFFFFFFF, s7;
	[sflag:s2] =	ssyncadd.s32 $0xFFFF8000  }
0xe0: {  	_ =	sfence.sel $0x180000  }
0xe1: {  	[bflag:$0x0] =	sbarrier.arrive $0xFFFF  }
0xe2: {  	_ =	strace $0x9000004A  }
0xe3: {  	s0 =	stileid.u32;
	[bflag:$0x2] =	sbarrier.arrive $0xFFFF  }
0xe4: {  	p0 =	sne.s32 s0, $0x0;
	s0 =	rddreg [dreg:$0x4]  }
0xe5: {  	s0 =	sadd.s32 @!p0 $0x100000, s0  }
0xe6: {  	[sflag:s0] =	ssyncadd.tile.s32 @!p0 $0x1;
	_ =	shalt  }
.Lfunc_end2:
_tile_overlayer_lowered:
.L_overlay_start_2:
0xe7: {  	(tag) =	ssettag $0x2  }
0xe8: {  	s0 =	rddreg [dreg:$0x0];
	s2 =	stileid.u32  }
0xe9: {  	s1 =	rddreg [dreg:$0x1];
	p0 =	sne.s32 s2, $0x0  }
0xea: {  	s3 =	rddreg [dreg:$0x2];
	[bflag:$0x3] =	sbarrier.arrive $0xFFFF;
	s2 =	simm.s32 @!p0 $0x1C07  }
0xeb: {  	[timem:s3], [sflag:s2] =	dma.local @!p0 [hbm:s0], s1  }
0xec: {  	s0 =	simm.s32 @!p0 $0x7  }
0xed: {  	_ =	swait.ge @!p0 [sflag:s0], s1  }
0xee: {  	s1 =	ssub.s32 @!p0 $0x0, s1;
	[sflag:s0] =	ssyncset.done @!p0 $0x0  }
0xef: {  	[sflag:s0] =	ssyncadd.s32 @!p0 s1  }
0xf0: {  	[bflag:$0x3] =	sbarrier.arrive $0xFFFF  }
0xf1: {  	_ =	shalt  }

</sc_bundles>
